<compile_context>
chip_gen: v7x
topology: tpu7x:2x2x1
jax: 0.10.2.dev20260603
libtpu: 0.0.44.dev20260713+nightly
codegen_flags: <defaults>
</compile_context>

<pallas_src>
import functools

import jax
import jax.numpy as jnp
from jax import lax
from jax.experimental import pallas as pl
from jax.experimental.pallas import tpu as pltpu
from jax.experimental.pallas import tpu_sc as plsc



def _gather_sc(idx_flat, emb):
    N = idx_flat.shape[0]
    E = emb.shape[1]
    info = plsc.get_sparse_core_info()
    nw = info.num_cores * info.num_subcores
    per_w = N // nw
    ch = 80
    nch = per_w // ch
    assert per_w % ch == 0 and N % nw == 0

    idx3 = idx_flat.reshape(nw, nch, ch)
    mesh = plsc.VectorSubcoreMesh(core_axis_name="c", subcore_axis_name="s")

    @functools.partial(
        pl.kernel,
        mesh=mesh,
        out_type=jax.ShapeDtypeStruct((N, E), jnp.float32),
        scratch_types=(
            [pltpu.VMEM((nch, ch), jnp.int32)]
            + [pltpu.VMEM((ch, E), jnp.float32) for _ in range(4)]
            + [pltpu.SemaphoreType.DMA for _ in range(8)]
        ),
    )
    def gk(idx_hbm, emb_hbm, out_hbm, idx_v, *rs):
        bufs = rs[:4]
        gsems = rs[4:8]
        ssems = rs[8:12]
        wid = lax.axis_index("s") * info.num_cores + lax.axis_index("c")
        base = wid * per_w
        pltpu.sync_copy(idx_hbm.at[wid], idx_v)
        gh = [None] * nch
        sh = [None] * nch

        def store(j):
            gh[j].wait()
            sh[j] = pltpu.async_copy(
                bufs[j % 4], out_hbm.at[pl.ds(base + j * ch, ch)],
                ssems[j % 4])

        for j in range(nch):
            if j >= 4:
                sh[j - 4].wait()
            gh[j] = pltpu.async_copy(emb_hbm.at[idx_v.at[j]], bufs[j % 4],
                                     gsems[j % 4])
            if j >= 2:
                store(j - 2)
        store(nch - 2)
        store(nch - 1)
        for j in range(nch - 4, nch):
            sh[j].wait()

    return gk(idx3, emb)



def _sig(x):
    return 0.5 * jnp.tanh(0.5 * x) + 0.5


def _lstm_body(e_ref, wcat_ref, b_ref, wc_ref, bc_ref, out_ref,
               xh_scr, c_scr):
    t = pl.program_id(0)
    T = pl.num_programs(0)
    E = e_ref.shape[2]
    H = c_scr.shape[1]

    @pl.when(t == 0)
    def _init():
        xh_scr[:, E:] = jnp.zeros_like(xh_scr[:, E:])
        c_scr[...] = jnp.zeros_like(c_scr)

    xh_scr[:, :E] = e_ref[0].astype(xh_scr.dtype)
    gates = jnp.dot(xh_scr[...], wcat_ref[...],
                    preferred_element_type=jnp.float32)
    b = b_ref[...]
    ig = _sig(gates[:, :H] + b[:, :H])
    fg = _sig(gates[:, H:2 * H] + b[:, H:2 * H])
    gg = jnp.tanh(gates[:, 2 * H:3 * H] + b[:, 2 * H:3 * H])
    og = _sig(gates[:, 3 * H:] + b[:, 3 * H:])
    c = fg * c_scr[...] + ig * gg
    c_scr[...] = c
    xh_scr[:, E:] = (og * jnp.tanh(c)).astype(xh_scr.dtype)

    @pl.when(t == T - 1)
    def _cls():
        out_ref[...] = (
            jnp.dot(xh_scr[:, E:], wc_ref[...],
                    preferred_element_type=jnp.float32)
            + bc_ref[...]
        )


def _lstm_tc(e_tm, wcat, bias, wc, bc):
    T, B, E = e_tm.shape
    H = wc.shape[0]
    return pl.pallas_call(
        _lstm_body,
        grid=(T,),
        in_specs=[
            pl.BlockSpec((1, B, E), lambda t: (t, 0, 0)),
            pl.BlockSpec((E + H, 4 * H), lambda t: (0, 0)),
            pl.BlockSpec((1, 4 * H), lambda t: (0, 0)),
            pl.BlockSpec((H, 128), lambda t: (0, 0)),
            pl.BlockSpec((1, 128), lambda t: (0, 0)),
        ],
        out_specs=pl.BlockSpec((B, 128), lambda t: (0, 0)),
        out_shape=jax.ShapeDtypeStruct((B, 128), jnp.float32),
        scratch_shapes=[
            pltpu.VMEM((B, E + H), jnp.bfloat16),
            pltpu.VMEM((B, H), jnp.float32),
        ],
    )(e_tm, wcat.astype(jnp.bfloat16), bias, wc.astype(jnp.bfloat16), bc)


def kernel(x, emb, W_ih, W_hh, b_ih, b_hh, W_cls, b_cls):
    B, T = x.shape
    E = emb.shape[1]
    H = W_hh.shape[1]
    ncls = W_cls.shape[0]

    idx_tm = x.T.reshape(-1).astype(jnp.int32)
    e_flat = _gather_sc(idx_tm, emb.astype(jnp.float32))
    e_tm = e_flat.reshape(T, B, E)

    wcat = jnp.concatenate([W_ih.T, W_hh.T], axis=0)
    bias = (b_ih + b_hh).reshape(1, 4 * H)
    wc = jnp.zeros((H, 128), jnp.float32).at[:, :ncls].set(W_cls.T)
    bc = jnp.zeros((1, 128), jnp.float32).at[:, :ncls].set(b_cls)

    out = _lstm_tc(e_tm, wcat, bias, wc, bc)
    return out[:, :ncls]

# --- scband reference (transcript-rebuilt; emitter-appended) ---
"""Pipeline reference for scband-text-classifier-81020263072101 (READ-ONLY COPY).

The authoritative reference and input builder live on the scoring server;
editing this copy changes nothing except your own understanding.
"""

import jax, jax.numpy as jnp
import numpy as np

VOCAB = 100000
EMBED = 128
HIDDEN = 512
NUM_CLASSES = 3
B = 1024
T = 50


def setup_inputs(seed: int = 0) -> dict:
    key = jax.random.key(seed)
    ks = jax.random.split(key, 8)
    x = jax.random.randint(ks[0], (B, T), 0, VOCAB, dtype=jnp.int64 if jax.config.jax_enable_x64 else jnp.int32)
    emb = jax.random.normal(ks[1], (VOCAB, EMBED), dtype=jnp.float32) * 0.02
    W_ih = jax.random.normal(ks[2], (4 * HIDDEN, EMBED), dtype=jnp.float32) * 0.02
    W_hh = jax.random.normal(ks[3], (4 * HIDDEN, HIDDEN), dtype=jnp.float32) * 0.02
    b_ih = jnp.zeros((4 * HIDDEN,), dtype=jnp.float32)
    b_hh = jnp.zeros((4 * HIDDEN,), dtype=jnp.float32)
    W_cls = jax.random.normal(ks[4], (NUM_CLASSES, HIDDEN), dtype=jnp.float32) * 0.02
    b_cls = jnp.zeros((NUM_CLASSES,), dtype=jnp.float32)
    return {"x": x, "emb": emb, "W_ih": W_ih, "W_hh": W_hh, "b_ih": b_ih, "b_hh": b_hh, "W_cls": W_cls, "b_cls": b_cls}


def reference(x, emb, W_ih, W_hh, b_ih, b_hh, W_cls, b_cls):
    # embedding lookup: [B, T, E]
    e = jnp.take(emb, x, axis=0)
    Bb = e.shape[0]
    H = W_hh.shape[1]

    def step(carry, xt):
        h, c = carry
        gates = xt @ W_ih.T + h @ W_hh.T + b_ih + b_hh
        i, f, g, o = jnp.split(gates, 4, axis=-1)
        i = jax.nn.sigmoid(i)
        f = jax.nn.sigmoid(f)
        g = jnp.tanh(g)
        o = jax.nn.sigmoid(o)
        c_new = f * c + i * g
        h_new = o * jnp.tanh(c_new)
        return (h_new, c_new), None

    h0 = jnp.zeros((Bb, H), dtype=e.dtype)
    c0 = jnp.zeros((Bb, H), dtype=e.dtype)
    (h_final, c_final), _ = jax.lax.scan(step, (h0, c0), jnp.swapaxes(e, 0, 1))
    # classifier on final hidden state (hidden[-1] for single-layer LSTM)
    return h_final @ W_cls.T + b_cls

if __name__ == "__main__":
    import jax
    _d = setup_inputs()
    print(jax.jit(kernel)(*tuple(_d.values())))

</pallas_src>

<mosaic_0001>
#map = affine_map<(d0, d1) -> (0, 0, 0)>
#map1 = affine_map<(d0, d1) -> (0, 0)>
module attributes {stable_mosaic.version = 14 : i64} {
  func.func @gk(%arg0: i32, %arg1: i32, %arg2: memref<32x20x80xi32, #tpu.memory_space<hbm>>, %arg3: memref<100000x128xf32, #tpu.memory_space<hbm>>, %arg4: memref<51200x128xf32, #tpu.memory_space<hbm>>, %arg5: memref<20x80xi32, #tpu.memory_space<vmem>>, %arg6: memref<80x128xf32, #tpu.memory_space<vmem>>, %arg7: memref<80x128xf32, #tpu.memory_space<vmem>>, %arg8: memref<80x128xf32, #tpu.memory_space<vmem>>, %arg9: memref<80x128xf32, #tpu.memory_space<vmem>>, %arg10: memref<!tpu.dma_semaphore, #tpu.memory_space<semaphore_mem>>, %arg11: memref<!tpu.dma_semaphore, #tpu.memory_space<semaphore_mem>>, %arg12: memref<!tpu.dma_semaphore, #tpu.memory_space<semaphore_mem>>, %arg13: memref<!tpu.dma_semaphore, #tpu.memory_space<semaphore_mem>>, %arg14: memref<!tpu.dma_semaphore, #tpu.memory_space<semaphore_mem>>, %arg15: memref<!tpu.dma_semaphore, #tpu.memory_space<semaphore_mem>>, %arg16: memref<!tpu.dma_semaphore, #tpu.memory_space<semaphore_mem>>, %arg17: memref<!tpu.dma_semaphore, #tpu.memory_space<semaphore_mem>>) attributes {dimension_semantics = [#tpu.dimension_semantics<core_parallel>, #tpu.dimension_semantics<subcore_parallel>], iteration_bounds = array<i64: 2, 16>, scalar_prefetch = 0 : i64, scratch_operands = 13 : i64, tpu.core_type = #tpu.core_type<sc_vector_subcore>, window_params = [{transform_indices = #map}, {transform_indices = #map1}, {transform_indices = #map1}]} {
    %mul3A = arith.constant 2 : i32
    %mul3A_0 = arith.muli %arg1, %mul3A : i32
    %add3A = arith.addi %mul3A_0, %arg0 : i32
    %mul3A_1 = arith.constant 1600 : i32
    %mul3A_2 = arith.muli %add3A, %mul3A_1 : i32
    "tpu.region"() ({
      %run_scoped3A = tpu.sem_alloc : memref<!tpu.dma_semaphore, #tpu.memory_space<semaphore_mem>>
      %dma_start3A_481 = arith.constant 0 : i32
      %dma_start3A_482 = arith.constant 0 : i32
      %dma_start3A_483 = tpu.memref_slice %arg2[%add3A, %dma_start3A_481, %dma_start3A_482] : memref<32x20x80xi32, #tpu.memory_space<hbm>> -> memref<1x20x80xi32, #tpu.memory_space<hbm>>
      %dma_start3A_484 = tpu.memref_squeeze %dma_start3A_483 : memref<1x20x80xi32, #tpu.memory_space<hbm>> -> memref<20x80xi32, #tpu.memory_space<hbm>>
      %dma_start3A_485 = arith.constant 0 : i32
      %dma_start3A_486 = arith.constant 0 : i32
      %dma_start3A_487 = tpu.memref_slice %arg2[%add3A, %dma_start3A_485, %dma_start3A_486] : memref<32x20x80xi32, #tpu.memory_space<hbm>> -> memref<1x20x80xi32, #tpu.memory_space<hbm>>
      %dma_start3A_488 = tpu.memref_squeeze %dma_start3A_487 : memref<1x20x80xi32, #tpu.memory_space<hbm>> -> memref<20x80xi32, #tpu.memory_space<hbm>>
      tpu.enqueue_dma source(%dma_start3A_488 : memref<20x80xi32, #tpu.memory_space<hbm>>) target(%arg5 : memref<20x80xi32, #tpu.memory_space<vmem>>) target_semaphore(%run_scoped3A : memref<!tpu.dma_semaphore, #tpu.memory_space<semaphore_mem>>)
      %dma_wait3A_489 = arith.constant 0 : i32
      %dma_wait3A_490 = arith.constant 0 : i32
      %dma_wait3A_491 = tpu.memref_slice %arg2[%add3A, %dma_wait3A_489, %dma_wait3A_490] : memref<32x20x80xi32, #tpu.memory_space<hbm>> -> memref<1x20x80xi32, #tpu.memory_space<hbm>>
      %dma_wait3A_492 = tpu.memref_squeeze %dma_wait3A_491 : memref<1x20x80xi32, #tpu.memory_space<hbm>> -> memref<20x80xi32, #tpu.memory_space<hbm>>
      %dma_wait3A_493 = arith.constant 0 : i32
      %dma_wait3A_494 = arith.constant 0 : i32
      %dma_wait3A_495 = tpu.memref_slice %arg2[%add3A, %dma_wait3A_493, %dma_wait3A_494] : memref<32x20x80xi32, #tpu.memory_space<hbm>> -> memref<1x20x80xi32, #tpu.memory_space<hbm>>
      %dma_wait3A_496 = tpu.memref_squeeze %dma_wait3A_495 : memref<1x20x80xi32, #tpu.memory_space<hbm>> -> memref<20x80xi32, #tpu.memory_space<hbm>>
      tpu.wait_dma2 semaphore(%run_scoped3A : memref<!tpu.dma_semaphore, #tpu.memory_space<semaphore_mem>>) src(%dma_wait3A_496 : memref<20x80xi32, #tpu.memory_space<hbm>>) dst(%arg5 : memref<20x80xi32, #tpu.memory_space<vmem>>)
      tpu.yield
    }) : () -> ()
    %dma_start3A = arith.constant 0 : i32
    %dma_start3A_3 = arith.constant 0 : i32
    %dma_start3A_4 = tpu.memref_slice %arg5[%dma_start3A, %dma_start3A_3] : memref<20x80xi32, #tpu.memory_space<vmem>> -> memref<1x80xi32, #tpu.memory_space<vmem>>
    %dma_start3A_5 = tpu.memref_squeeze %dma_start3A_4 : memref<1x80xi32, #tpu.memory_space<vmem>> -> memref<80xi32, #tpu.memory_space<vmem>>
    %dma_start3A_6 = arith.constant 0 : i32
    %dma_start3A_7 = arith.constant 0 : i32
    %dma_start3A_8 = tpu.memref_slice %arg3[%dma_start3A_6, %dma_start3A_7] : memref<100000x128xf32, #tpu.memory_space<hbm>> -> memref<100000x128xf32, #tpu.memory_space<hbm>>
    tpu.enqueue_indirect_dma source(%dma_start3A_8 : memref<100000x128xf32, #tpu.memory_space<hbm>>) target(%arg6 : memref<80x128xf32, #tpu.memory_space<vmem>>) offsets(%dma_start3A_5 : memref<80xi32, #tpu.memory_space<vmem>>) semaphore(%arg10 : memref<!tpu.dma_semaphore, #tpu.memory_space<semaphore_mem>>)
    %dma_start3A_9 = arith.constant 1 : i32
    %dma_start3A_10 = arith.constant 0 : i32
    %dma_start3A_11 = tpu.memref_slice %arg5[%dma_start3A_9, %dma_start3A_10] : memref<20x80xi32, #tpu.memory_space<vmem>> -> memref<1x80xi32, #tpu.memory_space<vmem>>
    %dma_start3A_12 = tpu.memref_squeeze %dma_start3A_11 : memref<1x80xi32, #tpu.memory_space<vmem>> -> memref<80xi32, #tpu.memory_space<vmem>>
    %dma_start3A_13 = arith.constant 0 : i32
    %dma_start3A_14 = arith.constant 0 : i32
    %dma_start3A_15 = tpu.memref_slice %arg3[%dma_start3A_13, %dma_start3A_14] : memref<100000x128xf32, #tpu.memory_space<hbm>> -> memref<100000x128xf32, #tpu.memory_space<hbm>>
    tpu.enqueue_indirect_dma source(%dma_start3A_15 : memref<100000x128xf32, #tpu.memory_space<hbm>>) target(%arg7 : memref<80x128xf32, #tpu.memory_space<vmem>>) offsets(%dma_start3A_12 : memref<80xi32, #tpu.memory_space<vmem>>) semaphore(%arg11 : memref<!tpu.dma_semaphore, #tpu.memory_space<semaphore_mem>>)
    %dma_start3A_16 = arith.constant 2 : i32
    %dma_start3A_17 = arith.constant 0 : i32
    %dma_start3A_18 = tpu.memref_slice %arg5[%dma_start3A_16, %dma_start3A_17] : memref<20x80xi32, #tpu.memory_space<vmem>> -> memref<1x80xi32, #tpu.memory_space<vmem>>
    %dma_start3A_19 = tpu.memref_squeeze %dma_start3A_18 : memref<1x80xi32, #tpu.memory_space<vmem>> -> memref<80xi32, #tpu.memory_space<vmem>>
    %dma_start3A_20 = arith.constant 0 : i32
    %dma_start3A_21 = arith.constant 0 : i32
    %dma_start3A_22 = tpu.memref_slice %arg3[%dma_start3A_20, %dma_start3A_21] : memref<100000x128xf32, #tpu.memory_space<hbm>> -> memref<100000x128xf32, #tpu.memory_space<hbm>>
    tpu.enqueue_indirect_dma source(%dma_start3A_22 : memref<100000x128xf32, #tpu.memory_space<hbm>>) target(%arg8 : memref<80x128xf32, #tpu.memory_space<vmem>>) offsets(%dma_start3A_19 : memref<80xi32, #tpu.memory_space<vmem>>) semaphore(%arg12 : memref<!tpu.dma_semaphore, #tpu.memory_space<semaphore_mem>>)
    %dma_wait3A = arith.constant 0 : i32
    %dma_wait3A_23 = arith.constant 0 : i32
    %dma_wait3A_24 = tpu.memref_slice %arg5[%dma_wait3A, %dma_wait3A_23] : memref<20x80xi32, #tpu.memory_space<vmem>> -> memref<1x80xi32, #tpu.memory_space<vmem>>
    %dma_wait3A_25 = tpu.memref_squeeze %dma_wait3A_24 : memref<1x80xi32, #tpu.memory_space<vmem>> -> memref<80xi32, #tpu.memory_space<vmem>>
    %dma_wait3A_26 = arith.constant 0 : i32
    %dma_wait3A_27 = arith.constant 0 : i32
    %dma_wait3A_28 = tpu.memref_slice %arg3[%dma_wait3A_26, %dma_wait3A_27] : memref<100000x128xf32, #tpu.memory_space<hbm>> -> memref<100000x128xf32, #tpu.memory_space<hbm>>
    tpu.wait_indirect_dma semaphore(%arg10 : memref<!tpu.dma_semaphore, #tpu.memory_space<semaphore_mem>>) src(%dma_wait3A_28 : memref<100000x128xf32, #tpu.memory_space<hbm>>) dst(%arg6 : memref<80x128xf32, #tpu.memory_space<vmem>>)
    %add3A_29 = arith.constant 0 : i32
    %add3A_30 = arith.addi %mul3A_2, %add3A_29 : i32
    %dma_start3A_31 = arith.constant 0 : i32
    %dma_start3A_32 = tpu.memref_slice %arg4[%add3A_30, %dma_start3A_31] : memref<51200x128xf32, #tpu.memory_space<hbm>> -> memref<80x128xf32, #tpu.memory_space<hbm>>
    %dma_start3A_33 = arith.constant 0 : i32
    %dma_start3A_34 = tpu.memref_slice %arg4[%add3A_30, %dma_start3A_33] : memref<51200x128xf32, #tpu.memory_space<hbm>> -> memref<80x128xf32, #tpu.memory_space<hbm>>
    tpu.enqueue_dma source(%arg6 : memref<80x128xf32, #tpu.memory_space<vmem>>) target(%dma_start3A_34 : memref<80x128xf32, #tpu.memory_space<hbm>>) target_semaphore(%arg14 : memref<!tpu.dma_semaphore, #tpu.memory_space<semaphore_mem>>)
    %dma_start3A_35 = arith.constant 3 : i32
    %dma_start3A_36 = arith.constant 0 : i32
    %dma_start3A_37 = tpu.memref_slice %arg5[%dma_start3A_35, %dma_start3A_36] : memref<20x80xi32, #tpu.memory_space<vmem>> -> memref<1x80xi32, #tpu.memory_space<vmem>>
    %dma_start3A_38 = tpu.memref_squeeze %dma_start3A_37 : memref<1x80xi32, #tpu.memory_space<vmem>> -> memref<80xi32, #tpu.memory_space<vmem>>
    %dma_start3A_39 = arith.constant 0 : i32
    %dma_start3A_40 = arith.constant 0 : i32
    %dma_start3A_41 = tpu.memref_slice %arg3[%dma_start3A_39, %dma_start3A_40] : memref<100000x128xf32, #tpu.memory_space<hbm>> -> memref<100000x128xf32, #tpu.memory_space<hbm>>
    tpu.enqueue_indirect_dma source(%dma_start3A_41 : memref<100000x128xf32, #tpu.memory_space<hbm>>) target(%arg9 : memref<80x128xf32, #tpu.memory_space<vmem>>) offsets(%dma_start3A_38 : memref<80xi32, #tpu.memory_space<vmem>>) semaphore(%arg13 : memref<!tpu.dma_semaphore, #tpu.memory_space<semaphore_mem>>)
    %dma_wait3A_42 = arith.constant 1 : i32
    %dma_wait3A_43 = arith.constant 0 : i32
    %dma_wait3A_44 = tpu.memref_slice %arg5[%dma_wait3A_42, %dma_wait3A_43] : memref<20x80xi32, #tpu.memory_space<vmem>> -> memref<1x80xi32, #tpu.memory_space<vmem>>
    %dma_wait3A_45 = tpu.memref_squeeze %dma_wait3A_44 : memref<1x80xi32, #tpu.memory_space<vmem>> -> memref<80xi32, #tpu.memory_space<vmem>>
    %dma_wait3A_46 = arith.constant 0 : i32
    %dma_wait3A_47 = arith.constant 0 : i32
    %dma_wait3A_48 = tpu.memref_slice %arg3[%dma_wait3A_46, %dma_wait3A_47] : memref<100000x128xf32, #tpu.memory_space<hbm>> -> memref<100000x128xf32, #tpu.memory_space<hbm>>
    tpu.wait_indirect_dma semaphore(%arg11 : memref<!tpu.dma_semaphore, #tpu.memory_space<semaphore_mem>>) src(%dma_wait3A_48 : memref<100000x128xf32, #tpu.memory_space<hbm>>) dst(%arg7 : memref<80x128xf32, #tpu.memory_space<vmem>>)
    %add3A_49 = arith.constant 80 : i32
    %add3A_50 = arith.addi %mul3A_2, %add3A_49 : i32
    %dma_start3A_51 = arith.constant 0 : i32
    %dma_start3A_52 = tpu.memref_slice %arg4[%add3A_50, %dma_start3A_51] : memref<51200x128xf32, #tpu.memory_space<hbm>> -> memref<80x128xf32, #tpu.memory_space<hbm>>
    %dma_start3A_53 = arith.constant 0 : i32
    %dma_start3A_54 = tpu.memref_slice %arg4[%add3A_50, %dma_start3A_53] : memref<51200x128xf32, #tpu.memory_space<hbm>> -> memref<80x128xf32, #tpu.memory_space<hbm>>
    tpu.enqueue_dma source(%arg7 : memref<80x128xf32, #tpu.memory_space<vmem>>) target(%dma_start3A_54 : memref<80x128xf32, #tpu.memory_space<hbm>>) target_semaphore(%arg15 : memref<!tpu.dma_semaphore, #tpu.memory_space<semaphore_mem>>)
    %dma_wait3A_55 = arith.constant 0 : i32
    %dma_wait3A_56 = tpu.memref_slice %arg4[%add3A_30, %dma_wait3A_55] : memref<51200x128xf32, #tpu.memory_space<hbm>> -> memref<80x128xf32, #tpu.memory_space<hbm>>
    %dma_wait3A_57 = arith.constant 0 : i32
    %dma_wait3A_58 = tpu.memref_slice %arg4[%add3A_30, %dma_wait3A_57] : memref<51200x128xf32, #tpu.memory_space<hbm>> -> memref<80x128xf32, #tpu.memory_space<hbm>>
    tpu.wait_dma2 semaphore(%arg14 : memref<!tpu.dma_semaphore, #tpu.memory_space<semaphore_mem>>) src(%arg6 : memref<80x128xf32, #tpu.memory_space<vmem>>) dst(%dma_wait3A_58 : memref<80x128xf32, #tpu.memory_space<hbm>>)
    %dma_start3A_59 = arith.constant 4 : i32
    %dma_start3A_60 = arith.constant 0 : i32
    %dma_start3A_61 = tpu.memref_slice %arg5[%dma_start3A_59, %dma_start3A_60] : memref<20x80xi32, #tpu.memory_space<vmem>> -> memref<1x80xi32, #tpu.memory_space<vmem>>
    %dma_start3A_62 = tpu.memref_squeeze %dma_start3A_61 : memref<1x80xi32, #tpu.memory_space<vmem>> -> memref<80xi32, #tpu.memory_space<vmem>>
    %dma_start3A_63 = arith.constant 0 : i32
    %dma_start3A_64 = arith.constant 0 : i32
    %dma_start3A_65 = tpu.memref_slice %arg3[%dma_start3A_63, %dma_start3A_64] : memref<100000x128xf32, #tpu.memory_space<hbm>> -> memref<100000x128xf32, #tpu.memory_space<hbm>>
    tpu.enqueue_indirect_dma source(%dma_start3A_65 : memref<100000x128xf32, #tpu.memory_space<hbm>>) target(%arg6 : memref<80x128xf32, #tpu.memory_space<vmem>>) offsets(%dma_start3A_62 : memref<80xi32, #tpu.memory_space<vmem>>) semaphore(%arg10 : memref<!tpu.dma_semaphore, #tpu.memory_space<semaphore_mem>>)
    %dma_wait3A_66 = arith.constant 2 : i32
    %dma_wait3A_67 = arith.constant 0 : i32
    %dma_wait3A_68 = tpu.memref_slice %arg5[%dma_wait3A_66, %dma_wait3A_67] : memref<20x80xi32, #tpu.memory_space<vmem>> -> memref<1x80xi32, #tpu.memory_space<vmem>>
    %dma_wait3A_69 = tpu.memref_squeeze %dma_wait3A_68 : memref<1x80xi32, #tpu.memory_space<vmem>> -> memref<80xi32, #tpu.memory_space<vmem>>
    %dma_wait3A_70 = arith.constant 0 : i32
    %dma_wait3A_71 = arith.constant 0 : i32
    %dma_wait3A_72 = tpu.memref_slice %arg3[%dma_wait3A_70, %dma_wait3A_71] : memref<100000x128xf32, #tpu.memory_space<hbm>> -> memref<100000x128xf32, #tpu.memory_space<hbm>>
    tpu.wait_indirect_dma semaphore(%arg12 : memref<!tpu.dma_semaphore, #tpu.memory_space<semaphore_mem>>) src(%dma_wait3A_72 : memref<100000x128xf32, #tpu.memory_space<hbm>>) dst(%arg8 : memref<80x128xf32, #tpu.memory_space<vmem>>)
    %add3A_73 = arith.constant 160 : i32
    %add3A_74 = arith.addi %mul3A_2, %add3A_73 : i32
    %dma_start3A_75 = arith.constant 0 : i32
    %dma_start3A_76 = tpu.memref_slice %arg4[%add3A_74, %dma_start3A_75] : memref<51200x128xf32, #tpu.memory_space<hbm>> -> memref<80x128xf32, #tpu.memory_space<hbm>>
    %dma_start3A_77 = arith.constant 0 : i32
    %dma_start3A_78 = tpu.memref_slice %arg4[%add3A_74, %dma_start3A_77] : memref<51200x128xf32, #tpu.memory_space<hbm>> -> memref<80x128xf32, #tpu.memory_space<hbm>>
    tpu.enqueue_dma source(%arg8 : memref<80x128xf32, #tpu.memory_space<vmem>>) target(%dma_start3A_78 : memref<80x128xf32, #tpu.memory_space<hbm>>) target_semaphore(%arg16 : memref<!tpu.dma_semaphore, #tpu.memory_space<semaphore_mem>>)
    %dma_wait3A_79 = arith.constant 0 : i32
    %dma_wait3A_80 = tpu.memref_slice %arg4[%add3A_50, %dma_wait3A_79] : memref<51200x128xf32, #tpu.memory_space<hbm>> -> memref<80x128xf32, #tpu.memory_space<hbm>>
    %dma_wait3A_81 = arith.constant 0 : i32
    %dma_wait3A_82 = tpu.memref_slice %arg4[%add3A_50, %dma_wait3A_81] : memref<51200x128xf32, #tpu.memory_space<hbm>> -> memref<80x128xf32, #tpu.memory_space<hbm>>
    tpu.wait_dma2 semaphore(%arg15 : memref<!tpu.dma_semaphore, #tpu.memory_space<semaphore_mem>>) src(%arg7 : memref<80x128xf32, #tpu.memory_space<vmem>>) dst(%dma_wait3A_82 : memref<80x128xf32, #tpu.memory_space<hbm>>)
    %dma_start3A_83 = arith.constant 5 : i32
    %dma_start3A_84 = arith.constant 0 : i32
    %dma_start3A_85 = tpu.memref_slice %arg5[%dma_start3A_83, %dma_start3A_84] : memref<20x80xi32, #tpu.memory_space<vmem>> -> memref<1x80xi32, #tpu.memory_space<vmem>>
    %dma_start3A_86 = tpu.memref_squeeze %dma_start3A_85 : memref<1x80xi32, #tpu.memory_space<vmem>> -> memref<80xi32, #tpu.memory_space<vmem>>
    %dma_start3A_87 = arith.constant 0 : i32
    %dma_start3A_88 = arith.constant 0 : i32
    %dma_start3A_89 = tpu.memref_slice %arg3[%dma_start3A_87, %dma_start3A_88] : memref<100000x128xf32, #tpu.memory_space<hbm>> -> memref<100000x128xf32, #tpu.memory_space<hbm>>
    tpu.enqueue_indirect_dma source(%dma_start3A_89 : memref<100000x128xf32, #tpu.memory_space<hbm>>) target(%arg7 : memref<80x128xf32, #tpu.memory_space<vmem>>) offsets(%dma_start3A_86 : memref<80xi32, #tpu.memory_space<vmem>>) semaphore(%arg11 : memref<!tpu.dma_semaphore, #tpu.memory_space<semaphore_mem>>)
    %dma_wait3A_90 = arith.constant 3 : i32
    %dma_wait3A_91 = arith.constant 0 : i32
    %dma_wait3A_92 = tpu.memref_slice %arg5[%dma_wait3A_90, %dma_wait3A_91] : memref<20x80xi32, #tpu.memory_space<vmem>> -> memref<1x80xi32, #tpu.memory_space<vmem>>
    %dma_wait3A_93 = tpu.memref_squeeze %dma_wait3A_92 : memref<1x80xi32, #tpu.memory_space<vmem>> -> memref<80xi32, #tpu.memory_space<vmem>>
    %dma_wait3A_94 = arith.constant 0 : i32
    %dma_wait3A_95 = arith.constant 0 : i32
    %dma_wait3A_96 = tpu.memref_slice %arg3[%dma_wait3A_94, %dma_wait3A_95] : memref<100000x128xf32, #tpu.memory_space<hbm>> -> memref<100000x128xf32, #tpu.memory_space<hbm>>
    tpu.wait_indirect_dma semaphore(%arg13 : memref<!tpu.dma_semaphore, #tpu.memory_space<semaphore_mem>>) src(%dma_wait3A_96 : memref<100000x128xf32, #tpu.memory_space<hbm>>) dst(%arg9 : memref<80x128xf32, #tpu.memory_space<vmem>>)
    %add3A_97 = arith.constant 240 : i32
    %add3A_98 = arith.addi %mul3A_2, %add3A_97 : i32
    %dma_start3A_99 = arith.constant 0 : i32
    %dma_start3A_100 = tpu.memref_slice %arg4[%add3A_98, %dma_start3A_99] : memref<51200x128xf32, #tpu.memory_space<hbm>> -> memref<80x128xf32, #tpu.memory_space<hbm>>
    %dma_start3A_101 = arith.constant 0 : i32
    %dma_start3A_102 = tpu.memref_slice %arg4[%add3A_98, %dma_start3A_101] : memref<51200x128xf32, #tpu.memory_space<hbm>> -> memref<80x128xf32, #tpu.memory_space<hbm>>
    tpu.enqueue_dma source(%arg9 : memref<80x128xf32, #tpu.memory_space<vmem>>) target(%dma_start3A_102 : memref<80x128xf32, #tpu.memory_space<hbm>>) target_semaphore(%arg17 : memref<!tpu.dma_semaphore, #tpu.memory_space<semaphore_mem>>)
    %dma_wait3A_103 = arith.constant 0 : i32
    %dma_wait3A_104 = tpu.memref_slice %arg4[%add3A_74, %dma_wait3A_103] : memref<51200x128xf32, #tpu.memory_space<hbm>> -> memref<80x128xf32, #tpu.memory_space<hbm>>
    %dma_wait3A_105 = arith.constant 0 : i32
    %dma_wait3A_106 = tpu.memref_slice %arg4[%add3A_74, %dma_wait3A_105] : memref<51200x128xf32, #tpu.memory_space<hbm>> -> memref<80x128xf32, #tpu.memory_space<hbm>>
    tpu.wait_dma2 semaphore(%arg16 : memref<!tpu.dma_semaphore, #tpu.memory_space<semaphore_mem>>) src(%arg8 : memref<80x128xf32, #tpu.memory_space<vmem>>) dst(%dma_wait3A_106 : memref<80x128xf32, #tpu.memory_space<hbm>>)
    %dma_start3A_107 = arith.constant 6 : i32
    %dma_start3A_108 = arith.constant 0 : i32
    %dma_start3A_109 = tpu.memref_slice %arg5[%dma_start3A_107, %dma_start3A_108] : memref<20x80xi32, #tpu.memory_space<vmem>> -> memref<1x80xi32, #tpu.memory_space<vmem>>
    %dma_start3A_110 = tpu.memref_squeeze %dma_start3A_109 : memref<1x80xi32, #tpu.memory_space<vmem>> -> memref<80xi32, #tpu.memory_space<vmem>>
    %dma_start3A_111 = arith.constant 0 : i32
    %dma_start3A_112 = arith.constant 0 : i32
    %dma_start3A_113 = tpu.memref_slice %arg3[%dma_start3A_111, %dma_start3A_112] : memref<100000x128xf32, #tpu.memory_space<hbm>> -> memref<100000x128xf32, #tpu.memory_space<hbm>>
    tpu.enqueue_indirect_dma source(%dma_start3A_113 : memref<100000x128xf32, #tpu.memory_space<hbm>>) target(%arg8 : memref<80x128xf32, #tpu.memory_space<vmem>>) offsets(%dma_start3A_110 : memref<80xi32, #tpu.memory_space<vmem>>) semaphore(%arg12 : memref<!tpu.dma_semaphore, #tpu.memory_space<semaphore_mem>>)
    %dma_wait3A_114 = arith.constant 4 : i32
    %dma_wait3A_115 = arith.constant 0 : i32
    %dma_wait3A_116 = tpu.memref_slice %arg5[%dma_wait3A_114, %dma_wait3A_115] : memref<20x80xi32, #tpu.memory_space<vmem>> -> memref<1x80xi32, #tpu.memory_space<vmem>>
    %dma_wait3A_117 = tpu.memref_squeeze %dma_wait3A_116 : memref<1x80xi32, #tpu.memory_space<vmem>> -> memref<80xi32, #tpu.memory_space<vmem>>
    %dma_wait3A_118 = arith.constant 0 : i32
    %dma_wait3A_119 = arith.constant 0 : i32
    %dma_wait3A_120 = tpu.memref_slice %arg3[%dma_wait3A_118, %dma_wait3A_119] : memref<100000x128xf32, #tpu.memory_space<hbm>> -> memref<100000x128xf32, #tpu.memory_space<hbm>>
    tpu.wait_indirect_dma semaphore(%arg10 : memref<!tpu.dma_semaphore, #tpu.memory_space<semaphore_mem>>) src(%dma_wait3A_120 : memref<100000x128xf32, #tpu.memory_space<hbm>>) dst(%arg6 : memref<80x128xf32, #tpu.memory_space<vmem>>)
    %add3A_121 = arith.constant 320 : i32
    %add3A_122 = arith.addi %mul3A_2, %add3A_121 : i32
    %dma_start3A_123 = arith.constant 0 : i32
    %dma_start3A_124 = tpu.memref_slice %arg4[%add3A_122, %dma_start3A_123] : memref<51200x128xf32, #tpu.memory_space<hbm>> -> memref<80x128xf32, #tpu.memory_space<hbm>>
    %dma_start3A_125 = arith.constant 0 : i32
    %dma_start3A_126 = tpu.memref_slice %arg4[%add3A_122, %dma_start3A_125] : memref<51200x128xf32, #tpu.memory_space<hbm>> -> memref<80x128xf32, #tpu.memory_space<hbm>>
    tpu.enqueue_dma source(%arg6 : memref<80x128xf32, #tpu.memory_space<vmem>>) target(%dma_start3A_126 : memref<80x128xf32, #tpu.memory_space<hbm>>) target_semaphore(%arg14 : memref<!tpu.dma_semaphore, #tpu.memory_space<semaphore_mem>>)
    %dma_wait3A_127 = arith.constant 0 : i32
    %dma_wait3A_128 = tpu.memref_slice %arg4[%add3A_98, %dma_wait3A_127] : memref<51200x128xf32, #tpu.memory_space<hbm>> -> memref<80x128xf32, #tpu.memory_space<hbm>>
    %dma_wait3A_129 = arith.constant 0 : i32
    %dma_wait3A_130 = tpu.memref_slice %arg4[%add3A_98, %dma_wait3A_129] : memref<51200x128xf32, #tpu.memory_space<hbm>> -> memref<80x128xf32, #tpu.memory_space<hbm>>
    tpu.wait_dma2 semaphore(%arg17 : memref<!tpu.dma_semaphore, #tpu.memory_space<semaphore_mem>>) src(%arg9 : memref<80x128xf32, #tpu.memory_space<vmem>>) dst(%dma_wait3A_130 : memref<80x128xf32, #tpu.memory_space<hbm>>)
    %dma_start3A_131 = arith.constant 7 : i32
    %dma_start3A_132 = arith.constant 0 : i32
    %dma_start3A_133 = tpu.memref_slice %arg5[%dma_start3A_131, %dma_start3A_132] : memref<20x80xi32, #tpu.memory_space<vmem>> -> memref<1x80xi32, #tpu.memory_space<vmem>>
    %dma_start3A_134 = tpu.memref_squeeze %dma_start3A_133 : memref<1x80xi32, #tpu.memory_space<vmem>> -> memref<80xi32, #tpu.memory_space<vmem>>
    %dma_start3A_135 = arith.constant 0 : i32
    %dma_start3A_136 = arith.constant 0 : i32
    %dma_start3A_137 = tpu.memref_slice %arg3[%dma_start3A_135, %dma_start3A_136] : memref<100000x128xf32, #tpu.memory_space<hbm>> -> memref<100000x128xf32, #tpu.memory_space<hbm>>
    tpu.enqueue_indirect_dma source(%dma_start3A_137 : memref<100000x128xf32, #tpu.memory_space<hbm>>) target(%arg9 : memref<80x128xf32, #tpu.memory_space<vmem>>) offsets(%dma_start3A_134 : memref<80xi32, #tpu.memory_space<vmem>>) semaphore(%arg13 : memref<!tpu.dma_semaphore, #tpu.memory_space<semaphore_mem>>)
    %dma_wait3A_138 = arith.constant 5 : i32
    %dma_wait3A_139 = arith.constant 0 : i32
    %dma_wait3A_140 = tpu.memref_slice %arg5[%dma_wait3A_138, %dma_wait3A_139] : memref<20x80xi32, #tpu.memory_space<vmem>> -> memref<1x80xi32, #tpu.memory_space<vmem>>
    %dma_wait3A_141 = tpu.memref_squeeze %dma_wait3A_140 : memref<1x80xi32, #tpu.memory_space<vmem>> -> memref<80xi32, #tpu.memory_space<vmem>>
    %dma_wait3A_142 = arith.constant 0 : i32
    %dma_wait3A_143 = arith.constant 0 : i32
    %dma_wait3A_144 = tpu.memref_slice %arg3[%dma_wait3A_142, %dma_wait3A_143] : memref<100000x128xf32, #tpu.memory_space<hbm>> -> memref<100000x128xf32, #tpu.memory_space<hbm>>
    tpu.wait_indirect_dma semaphore(%arg11 : memref<!tpu.dma_semaphore, #tpu.memory_space<semaphore_mem>>) src(%dma_wait3A_144 : memref<100000x128xf32, #tpu.memory_space<hbm>>) dst(%arg7 : memref<80x128xf32, #tpu.memory_space<vmem>>)
    %add3A_145 = arith.constant 400 : i32
    %add3A_146 = arith.addi %mul3A_2, %add3A_145 : i32
    %dma_start3A_147 = arith.constant 0 : i32
    %dma_start3A_148 = tpu.memref_slice %arg4[%add3A_146, %dma_start3A_147] : memref<51200x128xf32, #tpu.memory_space<hbm>> -> memref<80x128xf32, #tpu.memory_space<hbm>>
    %dma_start3A_149 = arith.constant 0 : i32
    %dma_start3A_150 = tpu.memref_slice %arg4[%add3A_146, %dma_start3A_149] : memref<51200x128xf32, #tpu.memory_space<hbm>> -> memref<80x128xf32, #tpu.memory_space<hbm>>
    tpu.enqueue_dma source(%arg7 : memref<80x128xf32, #tpu.memory_space<vmem>>) target(%dma_start3A_150 : memref<80x128xf32, #tpu.memory_space<hbm>>) target_semaphore(%arg15 : memref<!tpu.dma_semaphore, #tpu.memory_space<semaphore_mem>>)
    %dma_wait3A_151 = arith.constant 0 : i32
    %dma_wait3A_152 = tpu.memref_slice %arg4[%add3A_122, %dma_wait3A_151] : memref<51200x128xf32, #tpu.memory_space<hbm>> -> memref<80x128xf32, #tpu.memory_space<hbm>>
    %dma_wait3A_153 = arith.constant 0 : i32
    %dma_wait3A_154 = tpu.memref_slice %arg4[%add3A_122, %dma_wait3A_153] : memref<51200x128xf32, #tpu.memory_space<hbm>> -> memref<80x128xf32, #tpu.memory_space<hbm>>
    tpu.wait_dma2 semaphore(%arg14 : memref<!tpu.dma_semaphore, #tpu.memory_space<semaphore_mem>>) src(%arg6 : memref<80x128xf32, #tpu.memory_space<vmem>>) dst(%dma_wait3A_154 : memref<80x128xf32, #tpu.memory_space<hbm>>)
    %dma_start3A_155 = arith.constant 8 : i32
    %dma_start3A_156 = arith.constant 0 : i32
    %dma_start3A_157 = tpu.memref_slice %arg5[%dma_start3A_155, %dma_start3A_156] : memref<20x80xi32, #tpu.memory_space<vmem>> -> memref<1x80xi32, #tpu.memory_space<vmem>>
    %dma_start3A_158 = tpu.memref_squeeze %dma_start3A_157 : memref<1x80xi32, #tpu.memory_space<vmem>> -> memref<80xi32, #tpu.memory_space<vmem>>
    %dma_start3A_159 = arith.constant 0 : i32
    %dma_start3A_160 = arith.constant 0 : i32
    %dma_start3A_161 = tpu.memref_slice %arg3[%dma_start3A_159, %dma_start3A_160] : memref<100000x128xf32, #tpu.memory_space<hbm>> -> memref<100000x128xf32, #tpu.memory_space<hbm>>
    tpu.enqueue_indirect_dma source(%dma_start3A_161 : memref<100000x128xf32, #tpu.memory_space<hbm>>) target(%arg6 : memref<80x128xf32, #tpu.memory_space<vmem>>) offsets(%dma_start3A_158 : memref<80xi32, #tpu.memory_space<vmem>>) semaphore(%arg10 : memref<!tpu.dma_semaphore, #tpu.memory_space<semaphore_mem>>)
    %dma_wait3A_162 = arith.constant 6 : i32
    %dma_wait3A_163 = arith.constant 0 : i32
    %dma_wait3A_164 = tpu.memref_slice %arg5[%dma_wait3A_162, %dma_wait3A_163] : memref<20x80xi32, #tpu.memory_space<vmem>> -> memref<1x80xi32, #tpu.memory_space<vmem>>
    %dma_wait3A_165 = tpu.memref_squeeze %dma_wait3A_164 : memref<1x80xi32, #tpu.memory_space<vmem>> -> memref<80xi32, #tpu.memory_space<vmem>>
    %dma_wait3A_166 = arith.constant 0 : i32
    %dma_wait3A_167 = arith.constant 0 : i32
    %dma_wait3A_168 = tpu.memref_slice %arg3[%dma_wait3A_166, %dma_wait3A_167] : memref<100000x128xf32, #tpu.memory_space<hbm>> -> memref<100000x128xf32, #tpu.memory_space<hbm>>
    tpu.wait_indirect_dma semaphore(%arg12 : memref<!tpu.dma_semaphore, #tpu.memory_space<semaphore_mem>>) src(%dma_wait3A_168 : memref<100000x128xf32, #tpu.memory_space<hbm>>) dst(%arg8 : memref<80x128xf32, #tpu.memory_space<vmem>>)
    %add3A_169 = arith.constant 480 : i32
    %add3A_170 = arith.addi %mul3A_2, %add3A_169 : i32
    %dma_start3A_171 = arith.constant 0 : i32
    %dma_start3A_172 = tpu.memref_slice %arg4[%add3A_170, %dma_start3A_171] : memref<51200x128xf32, #tpu.memory_space<hbm>> -> memref<80x128xf32, #tpu.memory_space<hbm>>
    %dma_start3A_173 = arith.constant 0 : i32
    %dma_start3A_174 = tpu.memref_slice %arg4[%add3A_170, %dma_start3A_173] : memref<51200x128xf32, #tpu.memory_space<hbm>> -> memref<80x128xf32, #tpu.memory_space<hbm>>
    tpu.enqueue_dma source(%arg8 : memref<80x128xf32, #tpu.memory_space<vmem>>) target(%dma_start3A_174 : memref<80x128xf32, #tpu.memory_space<hbm>>) target_semaphore(%arg16 : memref<!tpu.dma_semaphore, #tpu.memory_space<semaphore_mem>>)
    %dma_wait3A_175 = arith.constant 0 : i32
    %dma_wait3A_176 = tpu.memref_slice %arg4[%add3A_146, %dma_wait3A_175] : memref<51200x128xf32, #tpu.memory_space<hbm>> -> memref<80x128xf32, #tpu.memory_space<hbm>>
    %dma_wait3A_177 = arith.constant 0 : i32
    %dma_wait3A_178 = tpu.memref_slice %arg4[%add3A_146, %dma_wait3A_177] : memref<51200x128xf32, #tpu.memory_space<hbm>> -> memref<80x128xf32, #tpu.memory_space<hbm>>
    tpu.wait_dma2 semaphore(%arg15 : memref<!tpu.dma_semaphore, #tpu.memory_space<semaphore_mem>>) src(%arg7 : memref<80x128xf32, #tpu.memory_space<vmem>>) dst(%dma_wait3A_178 : memref<80x128xf32, #tpu.memory_space<hbm>>)
    %dma_start3A_179 = arith.constant 9 : i32
    %dma_start3A_180 = arith.constant 0 : i32
    %dma_start3A_181 = tpu.memref_slice %arg5[%dma_start3A_179, %dma_start3A_180] : memref<20x80xi32, #tpu.memory_space<vmem>> -> memref<1x80xi32, #tpu.memory_space<vmem>>
    %dma_start3A_182 = tpu.memref_squeeze %dma_start3A_181 : memref<1x80xi32, #tpu.memory_space<vmem>> -> memref<80xi32, #tpu.memory_space<vmem>>
    %dma_start3A_183 = arith.constant 0 : i32
    %dma_start3A_184 = arith.constant 0 : i32
    %dma_start3A_185 = tpu.memref_slice %arg3[%dma_start3A_183, %dma_start3A_184] : memref<100000x128xf32, #tpu.memory_space<hbm>> -> memref<100000x128xf32, #tpu.memory_space<hbm>>
    tpu.enqueue_indirect_dma source(%dma_start3A_185 : memref<100000x128xf32, #tpu.memory_space<hbm>>) target(%arg7 : memref<80x128xf32, #tpu.memory_space<vmem>>) offsets(%dma_start3A_182 : memref<80xi32, #tpu.memory_space<vmem>>) semaphore(%arg11 : memref<!tpu.dma_semaphore, #tpu.memory_space<semaphore_mem>>)
    %dma_wait3A_186 = arith.constant 7 : i32
    %dma_wait3A_187 = arith.constant 0 : i32
    %dma_wait3A_188 = tpu.memref_slice %arg5[%dma_wait3A_186, %dma_wait3A_187] : memref<20x80xi32, #tpu.memory_space<vmem>> -> memref<1x80xi32, #tpu.memory_space<vmem>>
    %dma_wait3A_189 = tpu.memref_squeeze %dma_wait3A_188 : memref<1x80xi32, #tpu.memory_space<vmem>> -> memref<80xi32, #tpu.memory_space<vmem>>
    %dma_wait3A_190 = arith.constant 0 : i32
    %dma_wait3A_191 = arith.constant 0 : i32
    %dma_wait3A_192 = tpu.memref_slice %arg3[%dma_wait3A_190, %dma_wait3A_191] : memref<100000x128xf32, #tpu.memory_space<hbm>> -> memref<100000x128xf32, #tpu.memory_space<hbm>>
    tpu.wait_indirect_dma semaphore(%arg13 : memref<!tpu.dma_semaphore, #tpu.memory_space<semaphore_mem>>) src(%dma_wait3A_192 : memref<100000x128xf32, #tpu.memory_space<hbm>>) dst(%arg9 : memref<80x128xf32, #tpu.memory_space<vmem>>)
    %add3A_193 = arith.constant 560 : i32
    %add3A_194 = arith.addi %mul3A_2, %add3A_193 : i32
    %dma_start3A_195 = arith.constant 0 : i32
    %dma_start3A_196 = tpu.memref_slice %arg4[%add3A_194, %dma_start3A_195] : memref<51200x128xf32, #tpu.memory_space<hbm>> -> memref<80x128xf32, #tpu.memory_space<hbm>>
    %dma_start3A_197 = arith.constant 0 : i32
    %dma_start3A_198 = tpu.memref_slice %arg4[%add3A_194, %dma_start3A_197] : memref<51200x128xf32, #tpu.memory_space<hbm>> -> memref<80x128xf32, #tpu.memory_space<hbm>>
    tpu.enqueue_dma source(%arg9 : memref<80x128xf32, #tpu.memory_space<vmem>>) target(%dma_start3A_198 : memref<80x128xf32, #tpu.memory_space<hbm>>) target_semaphore(%arg17 : memref<!tpu.dma_semaphore, #tpu.memory_space<semaphore_mem>>)
    %dma_wait3A_199 = arith.constant 0 : i32
    %dma_wait3A_200 = tpu.memref_slice %arg4[%add3A_170, %dma_wait3A_199] : memref<51200x128xf32, #tpu.memory_space<hbm>> -> memref<80x128xf32, #tpu.memory_space<hbm>>
    %dma_wait3A_201 = arith.constant 0 : i32
    %dma_wait3A_202 = tpu.memref_slice %arg4[%add3A_170, %dma_wait3A_201] : memref<51200x128xf32, #tpu.memory_space<hbm>> -> memref<80x128xf32, #tpu.memory_space<hbm>>
    tpu.wait_dma2 semaphore(%arg16 : memref<!tpu.dma_semaphore, #tpu.memory_space<semaphore_mem>>) src(%arg8 : memref<80x128xf32, #tpu.memory_space<vmem>>) dst(%dma_wait3A_202 : memref<80x128xf32, #tpu.memory_space<hbm>>)
    %dma_start3A_203 = arith.constant 10 : i32
    %dma_start3A_204 = arith.constant 0 : i32
    %dma_start3A_205 = tpu.memref_slice %arg5[%dma_start3A_203, %dma_start3A_204] : memref<20x80xi32, #tpu.memory_space<vmem>> -> memref<1x80xi32, #tpu.memory_space<vmem>>
    %dma_start3A_206 = tpu.memref_squeeze %dma_start3A_205 : memref<1x80xi32, #tpu.memory_space<vmem>> -> memref<80xi32, #tpu.memory_space<vmem>>
    %dma_start3A_207 = arith.constant 0 : i32
    %dma_start3A_208 = arith.constant 0 : i32
    %dma_start3A_209 = tpu.memref_slice %arg3[%dma_start3A_207, %dma_start3A_208] : memref<100000x128xf32, #tpu.memory_space<hbm>> -> memref<100000x128xf32, #tpu.memory_space<hbm>>
    tpu.enqueue_indirect_dma source(%dma_start3A_209 : memref<100000x128xf32, #tpu.memory_space<hbm>>) target(%arg8 : memref<80x128xf32, #tpu.memory_space<vmem>>) offsets(%dma_start3A_206 : memref<80xi32, #tpu.memory_space<vmem>>) semaphore(%arg12 : memref<!tpu.dma_semaphore, #tpu.memory_space<semaphore_mem>>)
    %dma_wait3A_210 = arith.constant 8 : i32
    %dma_wait3A_211 = arith.constant 0 : i32
    %dma_wait3A_212 = tpu.memref_slice %arg5[%dma_wait3A_210, %dma_wait3A_211] : memref<20x80xi32, #tpu.memory_space<vmem>> -> memref<1x80xi32, #tpu.memory_space<vmem>>
    %dma_wait3A_213 = tpu.memref_squeeze %dma_wait3A_212 : memref<1x80xi32, #tpu.memory_space<vmem>> -> memref<80xi32, #tpu.memory_space<vmem>>
    %dma_wait3A_214 = arith.constant 0 : i32
    %dma_wait3A_215 = arith.constant 0 : i32
    %dma_wait3A_216 = tpu.memref_slice %arg3[%dma_wait3A_214, %dma_wait3A_215] : memref<100000x128xf32, #tpu.memory_space<hbm>> -> memref<100000x128xf32, #tpu.memory_space<hbm>>
    tpu.wait_indirect_dma semaphore(%arg10 : memref<!tpu.dma_semaphore, #tpu.memory_space<semaphore_mem>>) src(%dma_wait3A_216 : memref<100000x128xf32, #tpu.memory_space<hbm>>) dst(%arg6 : memref<80x128xf32, #tpu.memory_space<vmem>>)
    %add3A_217 = arith.constant 640 : i32
    %add3A_218 = arith.addi %mul3A_2, %add3A_217 : i32
    %dma_start3A_219 = arith.constant 0 : i32
    %dma_start3A_220 = tpu.memref_slice %arg4[%add3A_218, %dma_start3A_219] : memref<51200x128xf32, #tpu.memory_space<hbm>> -> memref<80x128xf32, #tpu.memory_space<hbm>>
    %dma_start3A_221 = arith.constant 0 : i32
    %dma_start3A_222 = tpu.memref_slice %arg4[%add3A_218, %dma_start3A_221] : memref<51200x128xf32, #tpu.memory_space<hbm>> -> memref<80x128xf32, #tpu.memory_space<hbm>>
    tpu.enqueue_dma source(%arg6 : memref<80x128xf32, #tpu.memory_space<vmem>>) target(%dma_start3A_222 : memref<80x128xf32, #tpu.memory_space<hbm>>) target_semaphore(%arg14 : memref<!tpu.dma_semaphore, #tpu.memory_space<semaphore_mem>>)
    %dma_wait3A_223 = arith.constant 0 : i32
    %dma_wait3A_224 = tpu.memref_slice %arg4[%add3A_194, %dma_wait3A_223] : memref<51200x128xf32, #tpu.memory_space<hbm>> -> memref<80x128xf32, #tpu.memory_space<hbm>>
    %dma_wait3A_225 = arith.constant 0 : i32
    %dma_wait3A_226 = tpu.memref_slice %arg4[%add3A_194, %dma_wait3A_225] : memref<51200x128xf32, #tpu.memory_space<hbm>> -> memref<80x128xf32, #tpu.memory_space<hbm>>
    tpu.wait_dma2 semaphore(%arg17 : memref<!tpu.dma_semaphore, #tpu.memory_space<semaphore_mem>>) src(%arg9 : memref<80x128xf32, #tpu.memory_space<vmem>>) dst(%dma_wait3A_226 : memref<80x128xf32, #tpu.memory_space<hbm>>)
    %dma_start3A_227 = arith.constant 11 : i32
    %dma_start3A_228 = arith.constant 0 : i32
    %dma_start3A_229 = tpu.memref_slice %arg5[%dma_start3A_227, %dma_start3A_228] : memref<20x80xi32, #tpu.memory_space<vmem>> -> memref<1x80xi32, #tpu.memory_space<vmem>>
    %dma_start3A_230 = tpu.memref_squeeze %dma_start3A_229 : memref<1x80xi32, #tpu.memory_space<vmem>> -> memref<80xi32, #tpu.memory_space<vmem>>
    %dma_start3A_231 = arith.constant 0 : i32
    %dma_start3A_232 = arith.constant 0 : i32
    %dma_start3A_233 = tpu.memref_slice %arg3[%dma_start3A_231, %dma_start3A_232] : memref<100000x128xf32, #tpu.memory_space<hbm>> -> memref<100000x128xf32, #tpu.memory_space<hbm>>
    tpu.enqueue_indirect_dma source(%dma_start3A_233 : memref<100000x128xf32, #tpu.memory_space<hbm>>) target(%arg9 : memref<80x128xf32, #tpu.memory_space<vmem>>) offsets(%dma_start3A_230 : memref<80xi32, #tpu.memory_space<vmem>>) semaphore(%arg13 : memref<!tpu.dma_semaphore, #tpu.memory_space<semaphore_mem>>)
    %dma_wait3A_234 = arith.constant 9 : i32
    %dma_wait3A_235 = arith.constant 0 : i32
    %dma_wait3A_236 = tpu.memref_slice %arg5[%dma_wait3A_234, %dma_wait3A_235] : memref<20x80xi32, #tpu.memory_space<vmem>> -> memref<1x80xi32, #tpu.memory_space<vmem>>
    %dma_wait3A_237 = tpu.memref_squeeze %dma_wait3A_236 : memref<1x80xi32, #tpu.memory_space<vmem>> -> memref<80xi32, #tpu.memory_space<vmem>>
    %dma_wait3A_238 = arith.constant 0 : i32
    %dma_wait3A_239 = arith.constant 0 : i32
    %dma_wait3A_240 = tpu.memref_slice %arg3[%dma_wait3A_238, %dma_wait3A_239] : memref<100000x128xf32, #tpu.memory_space<hbm>> -> memref<100000x128xf32, #tpu.memory_space<hbm>>
    tpu.wait_indirect_dma semaphore(%arg11 : memref<!tpu.dma_semaphore, #tpu.memory_space<semaphore_mem>>) src(%dma_wait3A_240 : memref<100000x128xf32, #tpu.memory_space<hbm>>) dst(%arg7 : memref<80x128xf32, #tpu.memory_space<vmem>>)
    %add3A_241 = arith.constant 720 : i32
    %add3A_242 = arith.addi %mul3A_2, %add3A_241 : i32
    %dma_start3A_243 = arith.constant 0 : i32
    %dma_start3A_244 = tpu.memref_slice %arg4[%add3A_242, %dma_start3A_243] : memref<51200x128xf32, #tpu.memory_space<hbm>> -> memref<80x128xf32, #tpu.memory_space<hbm>>
    %dma_start3A_245 = arith.constant 0 : i32
    %dma_start3A_246 = tpu.memref_slice %arg4[%add3A_242, %dma_start3A_245] : memref<51200x128xf32, #tpu.memory_space<hbm>> -> memref<80x128xf32, #tpu.memory_space<hbm>>
    tpu.enqueue_dma source(%arg7 : memref<80x128xf32, #tpu.memory_space<vmem>>) target(%dma_start3A_246 : memref<80x128xf32, #tpu.memory_space<hbm>>) target_semaphore(%arg15 : memref<!tpu.dma_semaphore, #tpu.memory_space<semaphore_mem>>)
    %dma_wait3A_247 = arith.constant 0 : i32
    %dma_wait3A_248 = tpu.memref_slice %arg4[%add3A_218, %dma_wait3A_247] : memref<51200x128xf32, #tpu.memory_space<hbm>> -> memref<80x128xf32, #tpu.memory_space<hbm>>
    %dma_wait3A_249 = arith.constant 0 : i32
    %dma_wait3A_250 = tpu.memref_slice %arg4[%add3A_218, %dma_wait3A_249] : memref<51200x128xf32, #tpu.memory_space<hbm>> -> memref<80x128xf32, #tpu.memory_space<hbm>>
    tpu.wait_dma2 semaphore(%arg14 : memref<!tpu.dma_semaphore, #tpu.memory_space<semaphore_mem>>) src(%arg6 : memref<80x128xf32, #tpu.memory_space<vmem>>) dst(%dma_wait3A_250 : memref<80x128xf32, #tpu.memory_space<hbm>>)
    %dma_start3A_251 = arith.constant 12 : i32
    %dma_start3A_252 = arith.constant 0 : i32
    %dma_start3A_253 = tpu.memref_slice %arg5[%dma_start3A_251, %dma_start3A_252] : memref<20x80xi32, #tpu.memory_space<vmem>> -> memref<1x80xi32, #tpu.memory_space<vmem>>
    %dma_start3A_254 = tpu.memref_squeeze %dma_start3A_253 : memref<1x80xi32, #tpu.memory_space<vmem>> -> memref<80xi32, #tpu.memory_space<vmem>>
    %dma_start3A_255 = arith.constant 0 : i32
    %dma_start3A_256 = arith.constant 0 : i32
    %dma_start3A_257 = tpu.memref_slice %arg3[%dma_start3A_255, %dma_start3A_256] : memref<100000x128xf32, #tpu.memory_space<hbm>> -> memref<100000x128xf32, #tpu.memory_space<hbm>>
    tpu.enqueue_indirect_dma source(%dma_start3A_257 : memref<100000x128xf32, #tpu.memory_space<hbm>>) target(%arg6 : memref<80x128xf32, #tpu.memory_space<vmem>>) offsets(%dma_start3A_254 : memref<80xi32, #tpu.memory_space<vmem>>) semaphore(%arg10 : memref<!tpu.dma_semaphore, #tpu.memory_space<semaphore_mem>>)
    %dma_wait3A_258 = arith.constant 10 : i32
    %dma_wait3A_259 = arith.constant 0 : i32
    %dma_wait3A_260 = tpu.memref_slice %arg5[%dma_wait3A_258, %dma_wait3A_259] : memref<20x80xi32, #tpu.memory_space<vmem>> -> memref<1x80xi32, #tpu.memory_space<vmem>>
    %dma_wait3A_261 = tpu.memref_squeeze %dma_wait3A_260 : memref<1x80xi32, #tpu.memory_space<vmem>> -> memref<80xi32, #tpu.memory_space<vmem>>
    %dma_wait3A_262 = arith.constant 0 : i32
    %dma_wait3A_263 = arith.constant 0 : i32
    %dma_wait3A_264 = tpu.memref_slice %arg3[%dma_wait3A_262, %dma_wait3A_263] : memref<100000x128xf32, #tpu.memory_space<hbm>> -> memref<100000x128xf32, #tpu.memory_space<hbm>>
    tpu.wait_indirect_dma semaphore(%arg12 : memref<!tpu.dma_semaphore, #tpu.memory_space<semaphore_mem>>) src(%dma_wait3A_264 : memref<100000x128xf32, #tpu.memory_space<hbm>>) dst(%arg8 : memref<80x128xf32, #tpu.memory_space<vmem>>)
    %add3A_265 = arith.constant 800 : i32
    %add3A_266 = arith.addi %mul3A_2, %add3A_265 : i32
    %dma_start3A_267 = arith.constant 0 : i32
    %dma_start3A_268 = tpu.memref_slice %arg4[%add3A_266, %dma_start3A_267] : memref<51200x128xf32, #tpu.memory_space<hbm>> -> memref<80x128xf32, #tpu.memory_space<hbm>>
    %dma_start3A_269 = arith.constant 0 : i32
    %dma_start3A_270 = tpu.memref_slice %arg4[%add3A_266, %dma_start3A_269] : memref<51200x128xf32, #tpu.memory_space<hbm>> -> memref<80x128xf32, #tpu.memory_space<hbm>>
    tpu.enqueue_dma source(%arg8 : memref<80x128xf32, #tpu.memory_space<vmem>>) target(%dma_start3A_270 : memref<80x128xf32, #tpu.memory_space<hbm>>) target_semaphore(%arg16 : memref<!tpu.dma_semaphore, #tpu.memory_space<semaphore_mem>>)
    %dma_wait3A_271 = arith.constant 0 : i32
    %dma_wait3A_272 = tpu.memref_slice %arg4[%add3A_242, %dma_wait3A_271] : memref<51200x128xf32, #tpu.memory_space<hbm>> -> memref<80x128xf32, #tpu.memory_space<hbm>>
    %dma_wait3A_273 = arith.constant 0 : i32
    %dma_wait3A_274 = tpu.memref_slice %arg4[%add3A_242, %dma_wait3A_273] : memref<51200x128xf32, #tpu.memory_space<hbm>> -> memref<80x128xf32, #tpu.memory_space<hbm>>
    tpu.wait_dma2 semaphore(%arg15 : memref<!tpu.dma_semaphore, #tpu.memory_space<semaphore_mem>>) src(%arg7 : memref<80x128xf32, #tpu.memory_space<vmem>>) dst(%dma_wait3A_274 : memref<80x128xf32, #tpu.memory_space<hbm>>)
    %dma_start3A_275 = arith.constant 13 : i32
    %dma_start3A_276 = arith.constant 0 : i32
    %dma_start3A_277 = tpu.memref_slice %arg5[%dma_start3A_275, %dma_start3A_276] : memref<20x80xi32, #tpu.memory_space<vmem>> -> memref<1x80xi32, #tpu.memory_space<vmem>>
    %dma_start3A_278 = tpu.memref_squeeze %dma_start3A_277 : memref<1x80xi32, #tpu.memory_space<vmem>> -> memref<80xi32, #tpu.memory_space<vmem>>
    %dma_start3A_279 = arith.constant 0 : i32
    %dma_start3A_280 = arith.constant 0 : i32
    %dma_start3A_281 = tpu.memref_slice %arg3[%dma_start3A_279, %dma_start3A_280] : memref<100000x128xf32, #tpu.memory_space<hbm>> -> memref<100000x128xf32, #tpu.memory_space<hbm>>
    tpu.enqueue_indirect_dma source(%dma_start3A_281 : memref<100000x128xf32, #tpu.memory_space<hbm>>) target(%arg7 : memref<80x128xf32, #tpu.memory_space<vmem>>) offsets(%dma_start3A_278 : memref<80xi32, #tpu.memory_space<vmem>>) semaphore(%arg11 : memref<!tpu.dma_semaphore, #tpu.memory_space<semaphore_mem>>)
    %dma_wait3A_282 = arith.constant 11 : i32
    %dma_wait3A_283 = arith.constant 0 : i32
    %dma_wait3A_284 = tpu.memref_slice %arg5[%dma_wait3A_282, %dma_wait3A_283] : memref<20x80xi32, #tpu.memory_space<vmem>> -> memref<1x80xi32, #tpu.memory_space<vmem>>
    %dma_wait3A_285 = tpu.memref_squeeze %dma_wait3A_284 : memref<1x80xi32, #tpu.memory_space<vmem>> -> memref<80xi32, #tpu.memory_space<vmem>>
    %dma_wait3A_286 = arith.constant 0 : i32
    %dma_wait3A_287 = arith.constant 0 : i32
    %dma_wait3A_288 = tpu.memref_slice %arg3[%dma_wait3A_286, %dma_wait3A_287] : memref<100000x128xf32, #tpu.memory_space<hbm>> -> memref<100000x128xf32, #tpu.memory_space<hbm>>
    tpu.wait_indirect_dma semaphore(%arg13 : memref<!tpu.dma_semaphore, #tpu.memory_space<semaphore_mem>>) src(%dma_wait3A_288 : memref<100000x128xf32, #tpu.memory_space<hbm>>) dst(%arg9 : memref<80x128xf32, #tpu.memory_space<vmem>>)
    %add3A_289 = arith.constant 880 : i32
    %add3A_290 = arith.addi %mul3A_2, %add3A_289 : i32
    %dma_start3A_291 = arith.constant 0 : i32
    %dma_start3A_292 = tpu.memref_slice %arg4[%add3A_290, %dma_start3A_291] : memref<51200x128xf32, #tpu.memory_space<hbm>> -> memref<80x128xf32, #tpu.memory_space<hbm>>
    %dma_start3A_293 = arith.constant 0 : i32
    %dma_start3A_294 = tpu.memref_slice %arg4[%add3A_290, %dma_start3A_293] : memref<51200x128xf32, #tpu.memory_space<hbm>> -> memref<80x128xf32, #tpu.memory_space<hbm>>
    tpu.enqueue_dma source(%arg9 : memref<80x128xf32, #tpu.memory_space<vmem>>) target(%dma_start3A_294 : memref<80x128xf32, #tpu.memory_space<hbm>>) target_semaphore(%arg17 : memref<!tpu.dma_semaphore, #tpu.memory_space<semaphore_mem>>)
    %dma_wait3A_295 = arith.constant 0 : i32
    %dma_wait3A_296 = tpu.memref_slice %arg4[%add3A_266, %dma_wait3A_295] : memref<51200x128xf32, #tpu.memory_space<hbm>> -> memref<80x128xf32, #tpu.memory_space<hbm>>
    %dma_wait3A_297 = arith.constant 0 : i32
    %dma_wait3A_298 = tpu.memref_slice %arg4[%add3A_266, %dma_wait3A_297] : memref<51200x128xf32, #tpu.memory_space<hbm>> -> memref<80x128xf32, #tpu.memory_space<hbm>>
    tpu.wait_dma2 semaphore(%arg16 : memref<!tpu.dma_semaphore, #tpu.memory_space<semaphore_mem>>) src(%arg8 : memref<80x128xf32, #tpu.memory_space<vmem>>) dst(%dma_wait3A_298 : memref<80x128xf32, #tpu.memory_space<hbm>>)
    %dma_start3A_299 = arith.constant 14 : i32
    %dma_start3A_300 = arith.constant 0 : i32
    %dma_start3A_301 = tpu.memref_slice %arg5[%dma_start3A_299, %dma_start3A_300] : memref<20x80xi32, #tpu.memory_space<vmem>> -> memref<1x80xi32, #tpu.memory_space<vmem>>
    %dma_start3A_302 = tpu.memref_squeeze %dma_start3A_301 : memref<1x80xi32, #tpu.memory_space<vmem>> -> memref<80xi32, #tpu.memory_space<vmem>>
    %dma_start3A_303 = arith.constant 0 : i32
    %dma_start3A_304 = arith.constant 0 : i32
    %dma_start3A_305 = tpu.memref_slice %arg3[%dma_start3A_303, %dma_start3A_304] : memref<100000x128xf32, #tpu.memory_space<hbm>> -> memref<100000x128xf32, #tpu.memory_space<hbm>>
    tpu.enqueue_indirect_dma source(%dma_start3A_305 : memref<100000x128xf32, #tpu.memory_space<hbm>>) target(%arg8 : memref<80x128xf32, #tpu.memory_space<vmem>>) offsets(%dma_start3A_302 : memref<80xi32, #tpu.memory_space<vmem>>) semaphore(%arg12 : memref<!tpu.dma_semaphore, #tpu.memory_space<semaphore_mem>>)
    %dma_wait3A_306 = arith.constant 12 : i32
    %dma_wait3A_307 = arith.constant 0 : i32
    %dma_wait3A_308 = tpu.memref_slice %arg5[%dma_wait3A_306, %dma_wait3A_307] : memref<20x80xi32, #tpu.memory_space<vmem>> -> memref<1x80xi32, #tpu.memory_space<vmem>>
    %dma_wait3A_309 = tpu.memref_squeeze %dma_wait3A_308 : memref<1x80xi32, #tpu.memory_space<vmem>> -> memref<80xi32, #tpu.memory_space<vmem>>
    %dma_wait3A_310 = arith.constant 0 : i32
    %dma_wait3A_311 = arith.constant 0 : i32
    %dma_wait3A_312 = tpu.memref_slice %arg3[%dma_wait3A_310, %dma_wait3A_311] : memref<100000x128xf32, #tpu.memory_space<hbm>> -> memref<100000x128xf32, #tpu.memory_space<hbm>>
    tpu.wait_indirect_dma semaphore(%arg10 : memref<!tpu.dma_semaphore, #tpu.memory_space<semaphore_mem>>) src(%dma_wait3A_312 : memref<100000x128xf32, #tpu.memory_space<hbm>>) dst(%arg6 : memref<80x128xf32, #tpu.memory_space<vmem>>)
    %add3A_313 = arith.constant 960 : i32
    %add3A_314 = arith.addi %mul3A_2, %add3A_313 : i32
    %dma_start3A_315 = arith.constant 0 : i32
    %dma_start3A_316 = tpu.memref_slice %arg4[%add3A_314, %dma_start3A_315] : memref<51200x128xf32, #tpu.memory_space<hbm>> -> memref<80x128xf32, #tpu.memory_space<hbm>>
    %dma_start3A_317 = arith.constant 0 : i32
    %dma_start3A_318 = tpu.memref_slice %arg4[%add3A_314, %dma_start3A_317] : memref<51200x128xf32, #tpu.memory_space<hbm>> -> memref<80x128xf32, #tpu.memory_space<hbm>>
    tpu.enqueue_dma source(%arg6 : memref<80x128xf32, #tpu.memory_space<vmem>>) target(%dma_start3A_318 : memref<80x128xf32, #tpu.memory_space<hbm>>) target_semaphore(%arg14 : memref<!tpu.dma_semaphore, #tpu.memory_space<semaphore_mem>>)
    %dma_wait3A_319 = arith.constant 0 : i32
    %dma_wait3A_320 = tpu.memref_slice %arg4[%add3A_290, %dma_wait3A_319] : memref<51200x128xf32, #tpu.memory_space<hbm>> -> memref<80x128xf32, #tpu.memory_space<hbm>>
    %dma_wait3A_321 = arith.constant 0 : i32
    %dma_wait3A_322 = tpu.memref_slice %arg4[%add3A_290, %dma_wait3A_321] : memref<51200x128xf32, #tpu.memory_space<hbm>> -> memref<80x128xf32, #tpu.memory_space<hbm>>
    tpu.wait_dma2 semaphore(%arg17 : memref<!tpu.dma_semaphore, #tpu.memory_space<semaphore_mem>>) src(%arg9 : memref<80x128xf32, #tpu.memory_space<vmem>>) dst(%dma_wait3A_322 : memref<80x128xf32, #tpu.memory_space<hbm>>)
    %dma_start3A_323 = arith.constant 15 : i32
    %dma_start3A_324 = arith.constant 0 : i32
    %dma_start3A_325 = tpu.memref_slice %arg5[%dma_start3A_323, %dma_start3A_324] : memref<20x80xi32, #tpu.memory_space<vmem>> -> memref<1x80xi32, #tpu.memory_space<vmem>>
    %dma_start3A_326 = tpu.memref_squeeze %dma_start3A_325 : memref<1x80xi32, #tpu.memory_space<vmem>> -> memref<80xi32, #tpu.memory_space<vmem>>
    %dma_start3A_327 = arith.constant 0 : i32
    %dma_start3A_328 = arith.constant 0 : i32
    %dma_start3A_329 = tpu.memref_slice %arg3[%dma_start3A_327, %dma_start3A_328] : memref<100000x128xf32, #tpu.memory_space<hbm>> -> memref<100000x128xf32, #tpu.memory_space<hbm>>
    tpu.enqueue_indirect_dma source(%dma_start3A_329 : memref<100000x128xf32, #tpu.memory_space<hbm>>) target(%arg9 : memref<80x128xf32, #tpu.memory_space<vmem>>) offsets(%dma_start3A_326 : memref<80xi32, #tpu.memory_space<vmem>>) semaphore(%arg13 : memref<!tpu.dma_semaphore, #tpu.memory_space<semaphore_mem>>)
    %dma_wait3A_330 = arith.constant 13 : i32
    %dma_wait3A_331 = arith.constant 0 : i32
    %dma_wait3A_332 = tpu.memref_slice %arg5[%dma_wait3A_330, %dma_wait3A_331] : memref<20x80xi32, #tpu.memory_space<vmem>> -> memref<1x80xi32, #tpu.memory_space<vmem>>
    %dma_wait3A_333 = tpu.memref_squeeze %dma_wait3A_332 : memref<1x80xi32, #tpu.memory_space<vmem>> -> memref<80xi32, #tpu.memory_space<vmem>>
    %dma_wait3A_334 = arith.constant 0 : i32
    %dma_wait3A_335 = arith.constant 0 : i32
    %dma_wait3A_336 = tpu.memref_slice %arg3[%dma_wait3A_334, %dma_wait3A_335] : memref<100000x128xf32, #tpu.memory_space<hbm>> -> memref<100000x128xf32, #tpu.memory_space<hbm>>
    tpu.wait_indirect_dma semaphore(%arg11 : memref<!tpu.dma_semaphore, #tpu.memory_space<semaphore_mem>>) src(%dma_wait3A_336 : memref<100000x128xf32, #tpu.memory_space<hbm>>) dst(%arg7 : memref<80x128xf32, #tpu.memory_space<vmem>>)
    %add3A_337 = arith.constant 1040 : i32
    %add3A_338 = arith.addi %mul3A_2, %add3A_337 : i32
    %dma_start3A_339 = arith.constant 0 : i32
    %dma_start3A_340 = tpu.memref_slice %arg4[%add3A_338, %dma_start3A_339] : memref<51200x128xf32, #tpu.memory_space<hbm>> -> memref<80x128xf32, #tpu.memory_space<hbm>>
    %dma_start3A_341 = arith.constant 0 : i32
    %dma_start3A_342 = tpu.memref_slice %arg4[%add3A_338, %dma_start3A_341] : memref<51200x128xf32, #tpu.memory_space<hbm>> -> memref<80x128xf32, #tpu.memory_space<hbm>>
    tpu.enqueue_dma source(%arg7 : memref<80x128xf32, #tpu.memory_space<vmem>>) target(%dma_start3A_342 : memref<80x128xf32, #tpu.memory_space<hbm>>) target_semaphore(%arg15 : memref<!tpu.dma_semaphore, #tpu.memory_space<semaphore_mem>>)
    %dma_wait3A_343 = arith.constant 0 : i32
    %dma_wait3A_344 = tpu.memref_slice %arg4[%add3A_314, %dma_wait3A_343] : memref<51200x128xf32, #tpu.memory_space<hbm>> -> memref<80x128xf32, #tpu.memory_space<hbm>>
    %dma_wait3A_345 = arith.constant 0 : i32
    %dma_wait3A_346 = tpu.memref_slice %arg4[%add3A_314, %dma_wait3A_345] : memref<51200x128xf32, #tpu.memory_space<hbm>> -> memref<80x128xf32, #tpu.memory_space<hbm>>
    tpu.wait_dma2 semaphore(%arg14 : memref<!tpu.dma_semaphore, #tpu.memory_space<semaphore_mem>>) src(%arg6 : memref<80x128xf32, #tpu.memory_space<vmem>>) dst(%dma_wait3A_346 : memref<80x128xf32, #tpu.memory_space<hbm>>)
    %dma_start3A_347 = arith.constant 16 : i32
    %dma_start3A_348 = arith.constant 0 : i32
    %dma_start3A_349 = tpu.memref_slice %arg5[%dma_start3A_347, %dma_start3A_348] : memref<20x80xi32, #tpu.memory_space<vmem>> -> memref<1x80xi32, #tpu.memory_space<vmem>>
    %dma_start3A_350 = tpu.memref_squeeze %dma_start3A_349 : memref<1x80xi32, #tpu.memory_space<vmem>> -> memref<80xi32, #tpu.memory_space<vmem>>
    %dma_start3A_351 = arith.constant 0 : i32
    %dma_start3A_352 = arith.constant 0 : i32
    %dma_start3A_353 = tpu.memref_slice %arg3[%dma_start3A_351, %dma_start3A_352] : memref<100000x128xf32, #tpu.memory_space<hbm>> -> memref<100000x128xf32, #tpu.memory_space<hbm>>
    tpu.enqueue_indirect_dma source(%dma_start3A_353 : memref<100000x128xf32, #tpu.memory_space<hbm>>) target(%arg6 : memref<80x128xf32, #tpu.memory_space<vmem>>) offsets(%dma_start3A_350 : memref<80xi32, #tpu.memory_space<vmem>>) semaphore(%arg10 : memref<!tpu.dma_semaphore, #tpu.memory_space<semaphore_mem>>)
    %dma_wait3A_354 = arith.constant 14 : i32
    %dma_wait3A_355 = arith.constant 0 : i32
    %dma_wait3A_356 = tpu.memref_slice %arg5[%dma_wait3A_354, %dma_wait3A_355] : memref<20x80xi32, #tpu.memory_space<vmem>> -> memref<1x80xi32, #tpu.memory_space<vmem>>
    %dma_wait3A_357 = tpu.memref_squeeze %dma_wait3A_356 : memref<1x80xi32, #tpu.memory_space<vmem>> -> memref<80xi32, #tpu.memory_space<vmem>>
    %dma_wait3A_358 = arith.constant 0 : i32
    %dma_wait3A_359 = arith.constant 0 : i32
    %dma_wait3A_360 = tpu.memref_slice %arg3[%dma_wait3A_358, %dma_wait3A_359] : memref<100000x128xf32, #tpu.memory_space<hbm>> -> memref<100000x128xf32, #tpu.memory_space<hbm>>
    tpu.wait_indirect_dma semaphore(%arg12 : memref<!tpu.dma_semaphore, #tpu.memory_space<semaphore_mem>>) src(%dma_wait3A_360 : memref<100000x128xf32, #tpu.memory_space<hbm>>) dst(%arg8 : memref<80x128xf32, #tpu.memory_space<vmem>>)
    %add3A_361 = arith.constant 1120 : i32
    %add3A_362 = arith.addi %mul3A_2, %add3A_361 : i32
    %dma_start3A_363 = arith.constant 0 : i32
    %dma_start3A_364 = tpu.memref_slice %arg4[%add3A_362, %dma_start3A_363] : memref<51200x128xf32, #tpu.memory_space<hbm>> -> memref<80x128xf32, #tpu.memory_space<hbm>>
    %dma_start3A_365 = arith.constant 0 : i32
    %dma_start3A_366 = tpu.memref_slice %arg4[%add3A_362, %dma_start3A_365] : memref<51200x128xf32, #tpu.memory_space<hbm>> -> memref<80x128xf32, #tpu.memory_space<hbm>>
    tpu.enqueue_dma source(%arg8 : memref<80x128xf32, #tpu.memory_space<vmem>>) target(%dma_start3A_366 : memref<80x128xf32, #tpu.memory_space<hbm>>) target_semaphore(%arg16 : memref<!tpu.dma_semaphore, #tpu.memory_space<semaphore_mem>>)
    %dma_wait3A_367 = arith.constant 0 : i32
    %dma_wait3A_368 = tpu.memref_slice %arg4[%add3A_338, %dma_wait3A_367] : memref<51200x128xf32, #tpu.memory_space<hbm>> -> memref<80x128xf32, #tpu.memory_space<hbm>>
    %dma_wait3A_369 = arith.constant 0 : i32
    %dma_wait3A_370 = tpu.memref_slice %arg4[%add3A_338, %dma_wait3A_369] : memref<51200x128xf32, #tpu.memory_space<hbm>> -> memref<80x128xf32, #tpu.memory_space<hbm>>
    tpu.wait_dma2 semaphore(%arg15 : memref<!tpu.dma_semaphore, #tpu.memory_space<semaphore_mem>>) src(%arg7 : memref<80x128xf32, #tpu.memory_space<vmem>>) dst(%dma_wait3A_370 : memref<80x128xf32, #tpu.memory_space<hbm>>)
    %dma_start3A_371 = arith.constant 17 : i32
    %dma_start3A_372 = arith.constant 0 : i32
    %dma_start3A_373 = tpu.memref_slice %arg5[%dma_start3A_371, %dma_start3A_372] : memref<20x80xi32, #tpu.memory_space<vmem>> -> memref<1x80xi32, #tpu.memory_space<vmem>>
    %dma_start3A_374 = tpu.memref_squeeze %dma_start3A_373 : memref<1x80xi32, #tpu.memory_space<vmem>> -> memref<80xi32, #tpu.memory_space<vmem>>
    %dma_start3A_375 = arith.constant 0 : i32
    %dma_start3A_376 = arith.constant 0 : i32
    %dma_start3A_377 = tpu.memref_slice %arg3[%dma_start3A_375, %dma_start3A_376] : memref<100000x128xf32, #tpu.memory_space<hbm>> -> memref<100000x128xf32, #tpu.memory_space<hbm>>
    tpu.enqueue_indirect_dma source(%dma_start3A_377 : memref<100000x128xf32, #tpu.memory_space<hbm>>) target(%arg7 : memref<80x128xf32, #tpu.memory_space<vmem>>) offsets(%dma_start3A_374 : memref<80xi32, #tpu.memory_space<vmem>>) semaphore(%arg11 : memref<!tpu.dma_semaphore, #tpu.memory_space<semaphore_mem>>)
    %dma_wait3A_378 = arith.constant 15 : i32
    %dma_wait3A_379 = arith.constant 0 : i32
    %dma_wait3A_380 = tpu.memref_slice %arg5[%dma_wait3A_378, %dma_wait3A_379] : memref<20x80xi32, #tpu.memory_space<vmem>> -> memref<1x80xi32, #tpu.memory_space<vmem>>
    %dma_wait3A_381 = tpu.memref_squeeze %dma_wait3A_380 : memref<1x80xi32, #tpu.memory_space<vmem>> -> memref<80xi32, #tpu.memory_space<vmem>>
    %dma_wait3A_382 = arith.constant 0 : i32
    %dma_wait3A_383 = arith.constant 0 : i32
    %dma_wait3A_384 = tpu.memref_slice %arg3[%dma_wait3A_382, %dma_wait3A_383] : memref<100000x128xf32, #tpu.memory_space<hbm>> -> memref<100000x128xf32, #tpu.memory_space<hbm>>
    tpu.wait_indirect_dma semaphore(%arg13 : memref<!tpu.dma_semaphore, #tpu.memory_space<semaphore_mem>>) src(%dma_wait3A_384 : memref<100000x128xf32, #tpu.memory_space<hbm>>) dst(%arg9 : memref<80x128xf32, #tpu.memory_space<vmem>>)
    %add3A_385 = arith.constant 1200 : i32
    %add3A_386 = arith.addi %mul3A_2, %add3A_385 : i32
    %dma_start3A_387 = arith.constant 0 : i32
    %dma_start3A_388 = tpu.memref_slice %arg4[%add3A_386, %dma_start3A_387] : memref<51200x128xf32, #tpu.memory_space<hbm>> -> memref<80x128xf32, #tpu.memory_space<hbm>>
    %dma_start3A_389 = arith.constant 0 : i32
    %dma_start3A_390 = tpu.memref_slice %arg4[%add3A_386, %dma_start3A_389] : memref<51200x128xf32, #tpu.memory_space<hbm>> -> memref<80x128xf32, #tpu.memory_space<hbm>>
    tpu.enqueue_dma source(%arg9 : memref<80x128xf32, #tpu.memory_space<vmem>>) target(%dma_start3A_390 : memref<80x128xf32, #tpu.memory_space<hbm>>) target_semaphore(%arg17 : memref<!tpu.dma_semaphore, #tpu.memory_space<semaphore_mem>>)
    %dma_wait3A_391 = arith.constant 0 : i32
    %dma_wait3A_392 = tpu.memref_slice %arg4[%add3A_362, %dma_wait3A_391] : memref<51200x128xf32, #tpu.memory_space<hbm>> -> memref<80x128xf32, #tpu.memory_space<hbm>>
    %dma_wait3A_393 = arith.constant 0 : i32
    %dma_wait3A_394 = tpu.memref_slice %arg4[%add3A_362, %dma_wait3A_393] : memref<51200x128xf32, #tpu.memory_space<hbm>> -> memref<80x128xf32, #tpu.memory_space<hbm>>
    tpu.wait_dma2 semaphore(%arg16 : memref<!tpu.dma_semaphore, #tpu.memory_space<semaphore_mem>>) src(%arg8 : memref<80x128xf32, #tpu.memory_space<vmem>>) dst(%dma_wait3A_394 : memref<80x128xf32, #tpu.memory_space<hbm>>)
    %dma_start3A_395 = arith.constant 18 : i32
    %dma_start3A_396 = arith.constant 0 : i32
    %dma_start3A_397 = tpu.memref_slice %arg5[%dma_start3A_395, %dma_start3A_396] : memref<20x80xi32, #tpu.memory_space<vmem>> -> memref<1x80xi32, #tpu.memory_space<vmem>>
    %dma_start3A_398 = tpu.memref_squeeze %dma_start3A_397 : memref<1x80xi32, #tpu.memory_space<vmem>> -> memref<80xi32, #tpu.memory_space<vmem>>
    %dma_start3A_399 = arith.constant 0 : i32
    %dma_start3A_400 = arith.constant 0 : i32
    %dma_start3A_401 = tpu.memref_slice %arg3[%dma_start3A_399, %dma_start3A_400] : memref<100000x128xf32, #tpu.memory_space<hbm>> -> memref<100000x128xf32, #tpu.memory_space<hbm>>
    tpu.enqueue_indirect_dma source(%dma_start3A_401 : memref<100000x128xf32, #tpu.memory_space<hbm>>) target(%arg8 : memref<80x128xf32, #tpu.memory_space<vmem>>) offsets(%dma_start3A_398 : memref<80xi32, #tpu.memory_space<vmem>>) semaphore(%arg12 : memref<!tpu.dma_semaphore, #tpu.memory_space<semaphore_mem>>)
    %dma_wait3A_402 = arith.constant 16 : i32
    %dma_wait3A_403 = arith.constant 0 : i32
    %dma_wait3A_404 = tpu.memref_slice %arg5[%dma_wait3A_402, %dma_wait3A_403] : memref<20x80xi32, #tpu.memory_space<vmem>> -> memref<1x80xi32, #tpu.memory_space<vmem>>
    %dma_wait3A_405 = tpu.memref_squeeze %dma_wait3A_404 : memref<1x80xi32, #tpu.memory_space<vmem>> -> memref<80xi32, #tpu.memory_space<vmem>>
    %dma_wait3A_406 = arith.constant 0 : i32
    %dma_wait3A_407 = arith.constant 0 : i32
    %dma_wait3A_408 = tpu.memref_slice %arg3[%dma_wait3A_406, %dma_wait3A_407] : memref<100000x128xf32, #tpu.memory_space<hbm>> -> memref<100000x128xf32, #tpu.memory_space<hbm>>
    tpu.wait_indirect_dma semaphore(%arg10 : memref<!tpu.dma_semaphore, #tpu.memory_space<semaphore_mem>>) src(%dma_wait3A_408 : memref<100000x128xf32, #tpu.memory_space<hbm>>) dst(%arg6 : memref<80x128xf32, #tpu.memory_space<vmem>>)
    %add3A_409 = arith.constant 1280 : i32
    %add3A_410 = arith.addi %mul3A_2, %add3A_409 : i32
    %dma_start3A_411 = arith.constant 0 : i32
    %dma_start3A_412 = tpu.memref_slice %arg4[%add3A_410, %dma_start3A_411] : memref<51200x128xf32, #tpu.memory_space<hbm>> -> memref<80x128xf32, #tpu.memory_space<hbm>>
    %dma_start3A_413 = arith.constant 0 : i32
    %dma_start3A_414 = tpu.memref_slice %arg4[%add3A_410, %dma_start3A_413] : memref<51200x128xf32, #tpu.memory_space<hbm>> -> memref<80x128xf32, #tpu.memory_space<hbm>>
    tpu.enqueue_dma source(%arg6 : memref<80x128xf32, #tpu.memory_space<vmem>>) target(%dma_start3A_414 : memref<80x128xf32, #tpu.memory_space<hbm>>) target_semaphore(%arg14 : memref<!tpu.dma_semaphore, #tpu.memory_space<semaphore_mem>>)
    %dma_wait3A_415 = arith.constant 0 : i32
    %dma_wait3A_416 = tpu.memref_slice %arg4[%add3A_386, %dma_wait3A_415] : memref<51200x128xf32, #tpu.memory_space<hbm>> -> memref<80x128xf32, #tpu.memory_space<hbm>>
    %dma_wait3A_417 = arith.constant 0 : i32
    %dma_wait3A_418 = tpu.memref_slice %arg4[%add3A_386, %dma_wait3A_417] : memref<51200x128xf32, #tpu.memory_space<hbm>> -> memref<80x128xf32, #tpu.memory_space<hbm>>
    tpu.wait_dma2 semaphore(%arg17 : memref<!tpu.dma_semaphore, #tpu.memory_space<semaphore_mem>>) src(%arg9 : memref<80x128xf32, #tpu.memory_space<vmem>>) dst(%dma_wait3A_418 : memref<80x128xf32, #tpu.memory_space<hbm>>)
    %dma_start3A_419 = arith.constant 19 : i32
    %dma_start3A_420 = arith.constant 0 : i32
    %dma_start3A_421 = tpu.memref_slice %arg5[%dma_start3A_419, %dma_start3A_420] : memref<20x80xi32, #tpu.memory_space<vmem>> -> memref<1x80xi32, #tpu.memory_space<vmem>>
    %dma_start3A_422 = tpu.memref_squeeze %dma_start3A_421 : memref<1x80xi32, #tpu.memory_space<vmem>> -> memref<80xi32, #tpu.memory_space<vmem>>
    %dma_start3A_423 = arith.constant 0 : i32
    %dma_start3A_424 = arith.constant 0 : i32
    %dma_start3A_425 = tpu.memref_slice %arg3[%dma_start3A_423, %dma_start3A_424] : memref<100000x128xf32, #tpu.memory_space<hbm>> -> memref<100000x128xf32, #tpu.memory_space<hbm>>
    tpu.enqueue_indirect_dma source(%dma_start3A_425 : memref<100000x128xf32, #tpu.memory_space<hbm>>) target(%arg9 : memref<80x128xf32, #tpu.memory_space<vmem>>) offsets(%dma_start3A_422 : memref<80xi32, #tpu.memory_space<vmem>>) semaphore(%arg13 : memref<!tpu.dma_semaphore, #tpu.memory_space<semaphore_mem>>)
    %dma_wait3A_426 = arith.constant 17 : i32
    %dma_wait3A_427 = arith.constant 0 : i32
    %dma_wait3A_428 = tpu.memref_slice %arg5[%dma_wait3A_426, %dma_wait3A_427] : memref<20x80xi32, #tpu.memory_space<vmem>> -> memref<1x80xi32, #tpu.memory_space<vmem>>
    %dma_wait3A_429 = tpu.memref_squeeze %dma_wait3A_428 : memref<1x80xi32, #tpu.memory_space<vmem>> -> memref<80xi32, #tpu.memory_space<vmem>>
    %dma_wait3A_430 = arith.constant 0 : i32
    %dma_wait3A_431 = arith.constant 0 : i32
    %dma_wait3A_432 = tpu.memref_slice %arg3[%dma_wait3A_430, %dma_wait3A_431] : memref<100000x128xf32, #tpu.memory_space<hbm>> -> memref<100000x128xf32, #tpu.memory_space<hbm>>
    tpu.wait_indirect_dma semaphore(%arg11 : memref<!tpu.dma_semaphore, #tpu.memory_space<semaphore_mem>>) src(%dma_wait3A_432 : memref<100000x128xf32, #tpu.memory_space<hbm>>) dst(%arg7 : memref<80x128xf32, #tpu.memory_space<vmem>>)
    %add3A_433 = arith.constant 1360 : i32
    %add3A_434 = arith.addi %mul3A_2, %add3A_433 : i32
    %dma_start3A_435 = arith.constant 0 : i32
    %dma_start3A_436 = tpu.memref_slice %arg4[%add3A_434, %dma_start3A_435] : memref<51200x128xf32, #tpu.memory_space<hbm>> -> memref<80x128xf32, #tpu.memory_space<hbm>>
    %dma_start3A_437 = arith.constant 0 : i32
    %dma_start3A_438 = tpu.memref_slice %arg4[%add3A_434, %dma_start3A_437] : memref<51200x128xf32, #tpu.memory_space<hbm>> -> memref<80x128xf32, #tpu.memory_space<hbm>>
    tpu.enqueue_dma source(%arg7 : memref<80x128xf32, #tpu.memory_space<vmem>>) target(%dma_start3A_438 : memref<80x128xf32, #tpu.memory_space<hbm>>) target_semaphore(%arg15 : memref<!tpu.dma_semaphore, #tpu.memory_space<semaphore_mem>>)
    %dma_wait3A_439 = arith.constant 18 : i32
    %dma_wait3A_440 = arith.constant 0 : i32
    %dma_wait3A_441 = tpu.memref_slice %arg5[%dma_wait3A_439, %dma_wait3A_440] : memref<20x80xi32, #tpu.memory_space<vmem>> -> memref<1x80xi32, #tpu.memory_space<vmem>>
    %dma_wait3A_442 = tpu.memref_squeeze %dma_wait3A_441 : memref<1x80xi32, #tpu.memory_space<vmem>> -> memref<80xi32, #tpu.memory_space<vmem>>
    %dma_wait3A_443 = arith.constant 0 : i32
    %dma_wait3A_444 = arith.constant 0 : i32
    %dma_wait3A_445 = tpu.memref_slice %arg3[%dma_wait3A_443, %dma_wait3A_444] : memref<100000x128xf32, #tpu.memory_space<hbm>> -> memref<100000x128xf32, #tpu.memory_space<hbm>>
    tpu.wait_indirect_dma semaphore(%arg12 : memref<!tpu.dma_semaphore, #tpu.memory_space<semaphore_mem>>) src(%dma_wait3A_445 : memref<100000x128xf32, #tpu.memory_space<hbm>>) dst(%arg8 : memref<80x128xf32, #tpu.memory_space<vmem>>)
    %add3A_446 = arith.constant 1440 : i32
    %add3A_447 = arith.addi %mul3A_2, %add3A_446 : i32
    %dma_start3A_448 = arith.constant 0 : i32
    %dma_start3A_449 = tpu.memref_slice %arg4[%add3A_447, %dma_start3A_448] : memref<51200x128xf32, #tpu.memory_space<hbm>> -> memref<80x128xf32, #tpu.memory_space<hbm>>
    %dma_start3A_450 = arith.constant 0 : i32
    %dma_start3A_451 = tpu.memref_slice %arg4[%add3A_447, %dma_start3A_450] : memref<51200x128xf32, #tpu.memory_space<hbm>> -> memref<80x128xf32, #tpu.memory_space<hbm>>
    tpu.enqueue_dma source(%arg8 : memref<80x128xf32, #tpu.memory_space<vmem>>) target(%dma_start3A_451 : memref<80x128xf32, #tpu.memory_space<hbm>>) target_semaphore(%arg16 : memref<!tpu.dma_semaphore, #tpu.memory_space<semaphore_mem>>)
    %dma_wait3A_452 = arith.constant 19 : i32
    %dma_wait3A_453 = arith.constant 0 : i32
    %dma_wait3A_454 = tpu.memref_slice %arg5[%dma_wait3A_452, %dma_wait3A_453] : memref<20x80xi32, #tpu.memory_space<vmem>> -> memref<1x80xi32, #tpu.memory_space<vmem>>
    %dma_wait3A_455 = tpu.memref_squeeze %dma_wait3A_454 : memref<1x80xi32, #tpu.memory_space<vmem>> -> memref<80xi32, #tpu.memory_space<vmem>>
    %dma_wait3A_456 = arith.constant 0 : i32
    %dma_wait3A_457 = arith.constant 0 : i32
    %dma_wait3A_458 = tpu.memref_slice %arg3[%dma_wait3A_456, %dma_wait3A_457] : memref<100000x128xf32, #tpu.memory_space<hbm>> -> memref<100000x128xf32, #tpu.memory_space<hbm>>
    tpu.wait_indirect_dma semaphore(%arg13 : memref<!tpu.dma_semaphore, #tpu.memory_space<semaphore_mem>>) src(%dma_wait3A_458 : memref<100000x128xf32, #tpu.memory_space<hbm>>) dst(%arg9 : memref<80x128xf32, #tpu.memory_space<vmem>>)
    %add3A_459 = arith.constant 1520 : i32
    %add3A_460 = arith.addi %mul3A_2, %add3A_459 : i32
    %dma_start3A_461 = arith.constant 0 : i32
    %dma_start3A_462 = tpu.memref_slice %arg4[%add3A_460, %dma_start3A_461] : memref<51200x128xf32, #tpu.memory_space<hbm>> -> memref<80x128xf32, #tpu.memory_space<hbm>>
    %dma_start3A_463 = arith.constant 0 : i32
    %dma_start3A_464 = tpu.memref_slice %arg4[%add3A_460, %dma_start3A_463] : memref<51200x128xf32, #tpu.memory_space<hbm>> -> memref<80x128xf32, #tpu.memory_space<hbm>>
    tpu.enqueue_dma source(%arg9 : memref<80x128xf32, #tpu.memory_space<vmem>>) target(%dma_start3A_464 : memref<80x128xf32, #tpu.memory_space<hbm>>) target_semaphore(%arg17 : memref<!tpu.dma_semaphore, #tpu.memory_space<semaphore_mem>>)
    %dma_wait3A_465 = arith.constant 0 : i32
    %dma_wait3A_466 = tpu.memref_slice %arg4[%add3A_410, %dma_wait3A_465] : memref<51200x128xf32, #tpu.memory_space<hbm>> -> memref<80x128xf32, #tpu.memory_space<hbm>>
    %dma_wait3A_467 = arith.constant 0 : i32
    %dma_wait3A_468 = tpu.memref_slice %arg4[%add3A_410, %dma_wait3A_467] : memref<51200x128xf32, #tpu.memory_space<hbm>> -> memref<80x128xf32, #tpu.memory_space<hbm>>
    tpu.wait_dma2 semaphore(%arg14 : memref<!tpu.dma_semaphore, #tpu.memory_space<semaphore_mem>>) src(%arg6 : memref<80x128xf32, #tpu.memory_space<vmem>>) dst(%dma_wait3A_468 : memref<80x128xf32, #tpu.memory_space<hbm>>)
    %dma_wait3A_469 = arith.constant 0 : i32
    %dma_wait3A_470 = tpu.memref_slice %arg4[%add3A_434, %dma_wait3A_469] : memref<51200x128xf32, #tpu.memory_space<hbm>> -> memref<80x128xf32, #tpu.memory_space<hbm>>
    %dma_wait3A_471 = arith.constant 0 : i32
    %dma_wait3A_472 = tpu.memref_slice %arg4[%add3A_434, %dma_wait3A_471] : memref<51200x128xf32, #tpu.memory_space<hbm>> -> memref<80x128xf32, #tpu.memory_space<hbm>>
    tpu.wait_dma2 semaphore(%arg15 : memref<!tpu.dma_semaphore, #tpu.memory_space<semaphore_mem>>) src(%arg7 : memref<80x128xf32, #tpu.memory_space<vmem>>) dst(%dma_wait3A_472 : memref<80x128xf32, #tpu.memory_space<hbm>>)
    %dma_wait3A_473 = arith.constant 0 : i32
    %dma_wait3A_474 = tpu.memref_slice %arg4[%add3A_447, %dma_wait3A_473] : memref<51200x128xf32, #tpu.memory_space<hbm>> -> memref<80x128xf32, #tpu.memory_space<hbm>>
    %dma_wait3A_475 = arith.constant 0 : i32
    %dma_wait3A_476 = tpu.memref_slice %arg4[%add3A_447, %dma_wait3A_475] : memref<51200x128xf32, #tpu.memory_space<hbm>> -> memref<80x128xf32, #tpu.memory_space<hbm>>
    tpu.wait_dma2 semaphore(%arg16 : memref<!tpu.dma_semaphore, #tpu.memory_space<semaphore_mem>>) src(%arg8 : memref<80x128xf32, #tpu.memory_space<vmem>>) dst(%dma_wait3A_476 : memref<80x128xf32, #tpu.memory_space<hbm>>)
    %dma_wait3A_477 = arith.constant 0 : i32
    %dma_wait3A_478 = tpu.memref_slice %arg4[%add3A_460, %dma_wait3A_477] : memref<51200x128xf32, #tpu.memory_space<hbm>> -> memref<80x128xf32, #tpu.memory_space<hbm>>
    %dma_wait3A_479 = arith.constant 0 : i32
    %dma_wait3A_480 = tpu.memref_slice %arg4[%add3A_460, %dma_wait3A_479] : memref<51200x128xf32, #tpu.memory_space<hbm>> -> memref<80x128xf32, #tpu.memory_space<hbm>>
    tpu.wait_dma2 semaphore(%arg17 : memref<!tpu.dma_semaphore, #tpu.memory_space<semaphore_mem>>) src(%arg9 : memref<80x128xf32, #tpu.memory_space<vmem>>) dst(%dma_wait3A_480 : memref<80x128xf32, #tpu.memory_space<hbm>>)
    return
  }
}

module attributes {stable_mosaic.version = 14 : i64} {
  func.func @_lstm_body(%arg0: i32, %arg1: memref<1x1024x128xf32, #tpu.memory_space<vmem>>, %arg2: memref<640x2048xbf16, #tpu.memory_space<vmem>>, %arg3: memref<1x2048xf32, #tpu.memory_space<vmem>>, %arg4: memref<512x128xbf16, #tpu.memory_space<vmem>>, %arg5: memref<1x128xf32, #tpu.memory_space<vmem>>, %arg6: memref<1024x128xf32, #tpu.memory_space<vmem>>, %arg7: memref<1024x640xbf16, #tpu.memory_space<vmem>>, %arg8: memref<1024x512xf32, #tpu.memory_space<vmem>>) attributes {dimension_semantics = [#tpu.dimension_semantics<arbitrary>], iteration_bounds = array<i64: 50>, scalar_prefetch = 0 : i64, scratch_operands = 2 : i64, tpu.core_type = #tpu.core_type<tc>, window_params = [{transform_indices = @transform_0, window_bounds = array<i64: 1, 1024, 128>}, {pipeline_mode = #tpu.pipeline_mode<synchronous>, transform_indices = @transform_1, window_bounds = array<i64: 640, 2048>}, {pipeline_mode = #tpu.pipeline_mode<synchronous>, transform_indices = @transform_2, window_bounds = array<i64: 1, 2048>}, {pipeline_mode = #tpu.pipeline_mode<synchronous>, transform_indices = @transform_3, window_bounds = array<i64: 512, 128>}, {pipeline_mode = #tpu.pipeline_mode<synchronous>, transform_indices = @transform_4, window_bounds = array<i64: 1, 128>}, {pipeline_mode = #tpu.pipeline_mode<synchronous>, transform_indices = @transform_5, window_bounds = array<i64: 1024, 128>}]} {
    %eq3A = arith.constant 0 : i32
    %eq3A_0 = arith.cmpi eq, %arg0, %eq3A : i32
    %convert_element_type3A = arith.extui %eq3A_0 : i1 to i32
    %cond3A = arith.constant 0 : i32
    %cond3A_1 = arith.cmpi ne, %convert_element_type3A, %cond3A : i32
    scf.if %cond3A_1 {
      %broadcast_in_dim3A = arith.constant 0.000000e+00 : bf16
      %broadcast_in_dim3A_82 = vector.broadcast %broadcast_in_dim3A : bf16 to vector<1024x512xbf16>
      %swap3A_83 = arith.constant 0 : index
      %swap3A_84 = arith.constant 128 : index
      %swap3A_85 = vector.load %arg7[%swap3A_83, %swap3A_84] : memref<1024x640xbf16, #tpu.memory_space<vmem>>, vector<1024x512xbf16>
      tpu.vector_store %arg7[%swap3A_83, %swap3A_84], %broadcast_in_dim3A_82 {strides = array<i32>} : memref<1024x640xbf16, #tpu.memory_space<vmem>>, vector<1024x512xbf16>,
      %broadcast_in_dim3A_86 = arith.constant 0.000000e+00 : f32
      %broadcast_in_dim3A_87 = vector.broadcast %broadcast_in_dim3A_86 : f32 to vector<1024x512xf32>
      %swap3A_88 = arith.constant 0 : index
      %swap3A_89 = arith.constant 0 : index
      %swap3A_90 = vector.load %arg8[%swap3A_88, %swap3A_89] : memref<1024x512xf32, #tpu.memory_space<vmem>>, vector<1024x512xf32>
      tpu.vector_store %arg8[%swap3A_88, %swap3A_89], %broadcast_in_dim3A_87 {strides = array<i32>} : memref<1024x512xf32, #tpu.memory_space<vmem>>, vector<1024x512xf32>,
    } else {
    }
    %get3A = arith.constant 0 : index
    %get3A_2 = arith.constant 0 : index
    %get3A_3 = arith.constant 0 : index
    %get3A_4 = vector.load %arg1[%get3A, %get3A_2, %get3A_3] : memref<1x1024x128xf32, #tpu.memory_space<vmem>>, vector<1x1024x128xf32>
    %get3A_5 = vector.shape_cast %get3A_4 : vector<1x1024x128xf32> to vector<1024x128xf32>
    %convert_element_type3A_6 = arith.truncf %get3A_5 : vector<1024x128xf32> to vector<1024x128xbf16>
    %swap3A = arith.constant 0 : index
    %swap3A_7 = arith.constant 0 : index
    %swap3A_8 = vector.load %arg7[%swap3A, %swap3A_7] : memref<1024x640xbf16, #tpu.memory_space<vmem>>, vector<1024x128xbf16>
    tpu.vector_store %arg7[%swap3A, %swap3A_7], %convert_element_type3A_6 {strides = array<i32>} : memref<1024x640xbf16, #tpu.memory_space<vmem>>, vector<1024x128xbf16>,
    %get3A_9 = arith.constant 0 : index
    %get3A_10 = arith.constant 0 : index
    %get3A_11 = vector.load %arg7[%get3A_9, %get3A_10] : memref<1024x640xbf16, #tpu.memory_space<vmem>>, vector<1024x640xbf16>
    %get3A_12 = arith.constant 0 : index
    %get3A_13 = arith.constant 0 : index
    %get3A_14 = vector.load %arg2[%get3A_12, %get3A_13] : memref<640x2048xbf16, #tpu.memory_space<vmem>>, vector<640x2048xbf16>
    %dot_general3A = arith.constant dense<0.000000e+00> : vector<1024x2048xf32>
    %dot_general3A_15 = tpu.matmul %get3A_11, %get3A_14, %dot_general3A {dimension_numbers = #tpu.dot_dimension_numbers<[1], [0], [0], [1], [0, 0, 1, 1], [], []>, transpose_lhs_hint = false} : vector<1024x640xbf16>, vector<640x2048xbf16>, vector<1024x2048xf32> -> vector<1024x2048xf32>
    %get3A_16 = arith.constant 0 : index
    %get3A_17 = arith.constant 0 : index
    %get3A_18 = vector.load %arg3[%get3A_16, %get3A_17] : memref<1x2048xf32, #tpu.memory_space<vmem>>, vector<1x2048xf32>
    %slice3A = vector.extract_strided_slice %dot_general3A_15 {offsets = [0, 0], sizes = [1024, 512], strides = [1, 1]} : vector<1024x2048xf32> to vector<1024x512xf32>
    %slice3A_19 = vector.extract_strided_slice %get3A_18 {offsets = [0, 0], sizes = [1, 512], strides = [1, 1]} : vector<1x2048xf32> to vector<1x512xf32>
    %add3A = vector.broadcast %slice3A_19 : vector<1x512xf32> to vector<1024x512xf32>
    %add3A_20 = arith.addf %slice3A, %add3A : vector<1024x512xf32>
    %mul3A = arith.constant 5.000000e-01 : f32
    %mul3A_21 = vector.broadcast %mul3A : f32 to vector<1024x512xf32>
    %mul3A_22 = arith.mulf %mul3A_21, %add3A_20 : vector<1024x512xf32>
    %tanh3A = math.tanh %mul3A_22 : vector<1024x512xf32>
    %mul3A_23 = arith.constant 5.000000e-01 : f32
    %mul3A_24 = vector.broadcast %mul3A_23 : f32 to vector<1024x512xf32>
    %mul3A_25 = arith.mulf %mul3A_24, %tanh3A : vector<1024x512xf32>
    %add3A_26 = arith.constant 5.000000e-01 : f32
    %add3A_27 = vector.broadcast %add3A_26 : f32 to vector<1024x512xf32>
    %add3A_28 = arith.addf %mul3A_25, %add3A_27 : vector<1024x512xf32>
    %slice3A_29 = vector.extract_strided_slice %dot_general3A_15 {offsets = [0, 512], sizes = [1024, 512], strides = [1, 1]} : vector<1024x2048xf32> to vector<1024x512xf32>
    %slice3A_30 = vector.extract_strided_slice %get3A_18 {offsets = [0, 512], sizes = [1, 512], strides = [1, 1]} : vector<1x2048xf32> to vector<1x512xf32>
    %add3A_31 = vector.broadcast %slice3A_30 : vector<1x512xf32> to vector<1024x512xf32>
    %add3A_32 = arith.addf %slice3A_29, %add3A_31 : vector<1024x512xf32>
    %mul3A_33 = arith.constant 5.000000e-01 : f32
    %mul3A_34 = vector.broadcast %mul3A_33 : f32 to vector<1024x512xf32>
    %mul3A_35 = arith.mulf %mul3A_34, %add3A_32 : vector<1024x512xf32>
    %tanh3A_36 = math.tanh %mul3A_35 : vector<1024x512xf32>
    %mul3A_37 = arith.constant 5.000000e-01 : f32
    %mul3A_38 = vector.broadcast %mul3A_37 : f32 to vector<1024x512xf32>
    %mul3A_39 = arith.mulf %mul3A_38, %tanh3A_36 : vector<1024x512xf32>
    %add3A_40 = arith.constant 5.000000e-01 : f32
    %add3A_41 = vector.broadcast %add3A_40 : f32 to vector<1024x512xf32>
    %add3A_42 = arith.addf %mul3A_39, %add3A_41 : vector<1024x512xf32>
    %slice3A_43 = vector.extract_strided_slice %dot_general3A_15 {offsets = [0, 1024], sizes = [1024, 512], strides = [1, 1]} : vector<1024x2048xf32> to vector<1024x512xf32>
    %slice3A_44 = vector.extract_strided_slice %get3A_18 {offsets = [0, 1024], sizes = [1, 512], strides = [1, 1]} : vector<1x2048xf32> to vector<1x512xf32>
    %add3A_45 = vector.broadcast %slice3A_44 : vector<1x512xf32> to vector<1024x512xf32>
    %add3A_46 = arith.addf %slice3A_43, %add3A_45 : vector<1024x512xf32>
    %tanh3A_47 = math.tanh %add3A_46 : vector<1024x512xf32>
    %slice3A_48 = vector.extract_strided_slice %dot_general3A_15 {offsets = [0, 1536], sizes = [1024, 512], strides = [1, 1]} : vector<1024x2048xf32> to vector<1024x512xf32>
    %slice3A_49 = vector.extract_strided_slice %get3A_18 {offsets = [0, 1536], sizes = [1, 512], strides = [1, 1]} : vector<1x2048xf32> to vector<1x512xf32>
    %add3A_50 = vector.broadcast %slice3A_49 : vector<1x512xf32> to vector<1024x512xf32>
    %add3A_51 = arith.addf %slice3A_48, %add3A_50 : vector<1024x512xf32>
    %mul3A_52 = arith.constant 5.000000e-01 : f32
    %mul3A_53 = vector.broadcast %mul3A_52 : f32 to vector<1024x512xf32>
    %mul3A_54 = arith.mulf %mul3A_53, %add3A_51 : vector<1024x512xf32>
    %tanh3A_55 = math.tanh %mul3A_54 : vector<1024x512xf32>
    %mul3A_56 = arith.constant 5.000000e-01 : f32
    %mul3A_57 = vector.broadcast %mul3A_56 : f32 to vector<1024x512xf32>
    %mul3A_58 = arith.mulf %mul3A_57, %tanh3A_55 : vector<1024x512xf32>
    %add3A_59 = arith.constant 5.000000e-01 : f32
    %add3A_60 = vector.broadcast %add3A_59 : f32 to vector<1024x512xf32>
    %add3A_61 = arith.addf %mul3A_58, %add3A_60 : vector<1024x512xf32>
    %get3A_62 = arith.constant 0 : index
    %get3A_63 = arith.constant 0 : index
    %get3A_64 = vector.load %arg8[%get3A_62, %get3A_63] : memref<1024x512xf32, #tpu.memory_space<vmem>>, vector<1024x512xf32>
    %mul3A_65 = arith.mulf %add3A_42, %get3A_64 : vector<1024x512xf32>
    %mul3A_66 = arith.mulf %add3A_28, %tanh3A_47 : vector<1024x512xf32>
    %add3A_67 = arith.addf %mul3A_65, %mul3A_66 : vector<1024x512xf32>
    %swap3A_68 = arith.constant 0 : index
    %swap3A_69 = arith.constant 0 : index
    %swap3A_70 = vector.load %arg8[%swap3A_68, %swap3A_69] : memref<1024x512xf32, #tpu.memory_space<vmem>>, vector<1024x512xf32>
    tpu.vector_store %arg8[%swap3A_68, %swap3A_69], %add3A_67 {strides = array<i32>} : memref<1024x512xf32, #tpu.memory_space<vmem>>, vector<1024x512xf32>,
    %tanh3A_71 = math.tanh %add3A_67 : vector<1024x512xf32>
    %mul3A_72 = arith.mulf %add3A_61, %tanh3A_71 : vector<1024x512xf32>
    %convert_element_type3A_73 = arith.truncf %mul3A_72 : vector<1024x512xf32> to vector<1024x512xbf16>
    %swap3A_74 = arith.constant 0 : index
    %swap3A_75 = arith.constant 128 : index
    %swap3A_76 = vector.load %arg7[%swap3A_74, %swap3A_75] : memref<1024x640xbf16, #tpu.memory_space<vmem>>, vector<1024x512xbf16>
    tpu.vector_store %arg7[%swap3A_74, %swap3A_75], %convert_element_type3A_73 {strides = array<i32>} : memref<1024x640xbf16, #tpu.memory_space<vmem>>, vector<1024x512xbf16>,
    %eq3A_77 = arith.constant 49 : i32
    %eq3A_78 = arith.cmpi eq, %arg0, %eq3A_77 : i32
    %convert_element_type3A_79 = arith.extui %eq3A_78 : i1 to i32
    %cond3A_80 = arith.constant 0 : i32
    %cond3A_81 = arith.cmpi ne, %convert_element_type3A_79, %cond3A_80 : i32
    scf.if %cond3A_81 {
      %get3A_82 = arith.constant 0 : index
      %get3A_83 = arith.constant 128 : index
      %get3A_84 = vector.load %arg7[%get3A_82, %get3A_83] : memref<1024x640xbf16, #tpu.memory_space<vmem>>, vector<1024x512xbf16>
      %get3A_85 = arith.constant 0 : index
      %get3A_86 = arith.constant 0 : index
      %get3A_87 = vector.load %arg4[%get3A_85, %get3A_86] : memref<512x128xbf16, #tpu.memory_space<vmem>>, vector<512x128xbf16>
      %dot_general3A_88 = arith.constant dense<0.000000e+00> : vector<1024x128xf32>
      %dot_general3A_89 = tpu.matmul %get3A_84, %get3A_87, %dot_general3A_88 {dimension_numbers = #tpu.dot_dimension_numbers<[1], [0], [0], [1], [0, 0, 1, 1], [], []>, transpose_lhs_hint = false} : vector<1024x512xbf16>, vector<512x128xbf16>, vector<1024x128xf32> -> vector<1024x128xf32>
      %get3A_90 = arith.constant 0 : index
      %get3A_91 = arith.constant 0 : index
      %get3A_92 = vector.load %arg5[%get3A_90, %get3A_91] : memref<1x128xf32, #tpu.memory_space<vmem>>, vector<1x128xf32>
      %add3A_93 = vector.broadcast %get3A_92 : vector<1x128xf32> to vector<1024x128xf32>
      %add3A_94 = arith.addf %dot_general3A_89, %add3A_93 : vector<1024x128xf32>
      %swap3A_95 = arith.constant 0 : index
      %swap3A_96 = arith.constant 0 : index
      %swap3A_97 = vector.load %arg6[%swap3A_95, %swap3A_96] : memref<1024x128xf32, #tpu.memory_space<vmem>>, vector<1024x128xf32>
      tpu.vector_store %arg6[%swap3A_95, %swap3A_96], %add3A_94 {strides = array<i32>} : memref<1024x128xf32, #tpu.memory_space<vmem>>, vector<1024x128xf32>,
    } else {
    }
    return
  }
  func.func @transform_0(%arg0: i32) -> (i32, i32, i32) {
    %c0_i32 = arith.constant 0 : i32
    %c0_i32_0 = arith.constant 0 : i32
    %c0_i32_1 = arith.constant 0 : i32
    return %arg0, %c0_i32, %c0_i32_0 : i32, i32, i32
  }
  func.func @transform_1(%arg0: i32) -> (i32, i32) {
    %c0_i32 = arith.constant 0 : i32
    %c0_i32_0 = arith.constant 0 : i32
    %c0_i32_1 = arith.constant 0 : i32
    return %c0_i32, %c0_i32_0 : i32, i32
  }
  func.func @transform_2(%arg0: i32) -> (i32, i32) {
    %c0_i32 = arith.constant 0 : i32
    %c0_i32_0 = arith.constant 0 : i32
    %c0_i32_1 = arith.constant 0 : i32
    return %c0_i32, %c0_i32_0 : i32, i32
  }
  func.func @transform_3(%arg0: i32) -> (i32, i32) {
    %c0_i32 = arith.constant 0 : i32
    %c0_i32_0 = arith.constant 0 : i32
    %c0_i32_1 = arith.constant 0 : i32
    return %c0_i32, %c0_i32_0 : i32, i32
  }
  func.func @transform_4(%arg0: i32) -> (i32, i32) {
    %c0_i32 = arith.constant 0 : i32
    %c0_i32_0 = arith.constant 0 : i32
    %c0_i32_1 = arith.constant 0 : i32
    return %c0_i32, %c0_i32_0 : i32, i32
  }
  func.func @transform_5(%arg0: i32) -> (i32, i32) {
    %c0_i32 = arith.constant 0 : i32
    %c0_i32_0 = arith.constant 0 : i32
    %c0_i32_1 = arith.constant 0 : i32
    return %c0_i32, %c0_i32_0 : i32, i32
  }
}

</mosaic_0001>

<sc_bundles>
// kernel: kernel.4.cloned.1.call-start
scs
__scs_entry_jumppad:
0x0: {  	(pc) =	sbr.rel $0x88, $3  }
0x1: {  	(tag) =	ssettag $0x0;
	lr =	simm.s32 $0x1  }
0x2: {  	[smem:$0x3F99] =	sst lr;
	_ =	strace $0xD0000000  }
0x3: {  	_ = 	snop  }
0x4: {  	_ = 	snop  }
0x5: {  	_ = 	snop  }
0x6: {  	_ = 	snop  }
0x7: {  	_ = 	snop  }
__scs_overlays_trampoline_lowered:
0x8: {  	[smem:$0x3FA8] =	sst s0  }
0x9: {  	[smem:$0x3FA9] =	sst s1  }
0xa: {  	[smem:$0x3FAA] =	sst s2  }
0xb: {  	[smem:$0x3FAB] =	sst s3  }
0xc: {  	[smem:$0x3FAC] =	sst s4  }
0xd: {  	[smem:$0x3FAD] =	sst s5  }
0xe: {  	[smem:$0x3FAE] =	sst s6  }
0xf: {  	[smem:$0x3FAF] =	sst s7  }
0x10: {  	[smem:$0x3FB0] =	sst s8  }
0x11: {  	[smem:$0x3FB1] =	sst s9;
	s0 =	simm.s32 @!p0 $0x0  }
0x12: {  	s1 =	sld [smem:$0x3F97];
	s0 =	simm.s32 @p0 $0x1  }
0x13: {  	[smem:$0x3FB2] =	sst s0;
	s0 =	simm.s32 @!p1 $0x0  }
0x14: {  	s2 =	sld [smem:$0x3F96];
	s0 =	simm.s32 @p1 $0x1  }
0x15: {  	[smem:$0x3FB3] =	sst s0;
	s0 =	simm.s32 @!p2 $0x0  }
0x16: {  	s3 =	sld [smem:$0x3FDB];
	s0 =	simm.s32 @p2 $0x1  }
0x17: {  	s4 =	simm.s32 $0x1BF5;
	[smem:$0x3FB5] =	sst s0  }
0x18: {  	s0 =	sld [smem:$0x3F98];
	_ =	swait.ge [sflag:s4], $0x0  }
0x19: {  	s7 =	sld [smem:$0x3F99]  }
0x1a: {  	s8 =	sadd.s32 $0xFFFFE003, lr  }
0x1b: {  	s9 =	sadd.s32 $0xFFFFFEF7, lr;
	s5 =	simm.s32 $0xFFFFFFFF;
	p2 =	slt.u32 s8, $0xFFFFF086  }
0x1c: {  	p1 =	slt.u32 s9, $0xF7A;
	s5 =	simm.s32 @!p2 $0x0  }
0x1d: {  	s5 =	simm.s32 @p1 $0x1;
	p0 =	seq.s32 s7, s2  }
0x1e: {  	s7 =	smul.u32 @!p0 $0xF7A, s2;
	p2 =	seq.s32 @!p0 s5, $0x0  }
0x1f: {  	s9 =	smul.u32 $0xF7A, s1;
	s8 =	simm.s32 @!p0 $0x1BF5;
	p2 =	por !p2, p0  }
0x20: {  	[sflag:s8] =	ssyncset.s32 @!p0 $0xFFFFF086;
	s6 =	sadd.s32 @!p0 s3, s7;
	s7 =	simm.s32 @!p0 $0x108  }
0x21: {  	s3 =	sadd.s32 s3, s9;
	s6 =	sadd.s32 @!p0 $0x88, s6;
	s7 =	simm.s32 @p2 $0x1082  }
0x22: {  	[simem:s7], [sflag:s8] =	dma.local @!p0 [hbm:s6], $0xF7A  }
0x23: {  	s9 =	sor.u32 $0xD0000000, s2;
	s6 =	simm.s32 $0x108;
	_ =	swait.ge @!p0 [sflag:s8], $0x0  }
0x24: {  	s3 =	sadd.s32 $0x88, s3;
	s6 =	simm.s32 @!p1 $0x1082;
	[sflag:s4] =	ssyncset.s32 $0xFFFFF086  }
0x25: {  	[simem:s6], [sflag:s4] =	dma.local [hbm:s3], $0xF7A  }
0x26: {  	[smem:$0x3F99] =	sst s1;
	(tag) =	ssettag s2;
	_ =	strace s9  }
0x27: {  	s1 =	sld [smem:$0x3FA9]  }
0x28: {  	s2 =	sld [smem:$0x3FAA]  }
0x29: {  	s4 =	sld [smem:$0x3FAC]  }
0x2a: {  	p0 =	seq.s32 s5, $0x0;
	s5 =	sld [smem:$0x3FAD]  }
0x2b: {  	s6 =	sld [smem:$0x3FAE]  }
0x2c: {  	s7 =	sld [smem:$0x3FAF]  }
0x2d: {  	s3 =	simm.s32 $0x108;
	s8 =	sld [smem:$0x3FB0]  }
0x2e: {  	s3 =	simm.s32 @!p0 $0x1082;
	s9 =	sld [smem:$0x3FB1]  }
0x2f: {  	lr =	sadd.s32 s0, s3;
	s0 =	sld [smem:$0x3FA8]  }
0x30: {  	s3 =	sld [smem:$0x3FAB]  }
0x31: {  	[smem:$0x3FB4] =	sst s10  }
0x32: {  	s10 =	sld [smem:$0x3FB2];
	_ =	sdelay $0x3  }
0x33: {  	p0 =	seq.s32 s10, $0x1;
	s10 =	sld [smem:$0x3FB4];
	_ =	sdelay $0x3  }
0x34: {  	[smem:$0x3FB4] =	sst s10  }
0x35: {  	s10 =	sld [smem:$0x3FB3];
	_ =	sdelay $0x3  }
0x36: {  	p1 =	seq.s32 s10, $0x1;
	s10 =	sld [smem:$0x3FB4];
	_ =	sdelay $0x3  }
0x37: {  	[smem:$0x3FB4] =	sst s10  }
0x38: {  	s10 =	sld [smem:$0x3FB5]  }
0x39: {  	_ = 	snop;
	(pc) =	sbr.ind lr, $3  }
0x3a: {  	_ = 	snop  }
0x3b: {  	_ = 	snop  }
0x3c: {  	p2 =	seq.s32 s10, $0x1;
	s10 =	sld [smem:$0x3FB4]  }
0x3d: {  	_ =	shalt  }
0x3e: {  	_ =	shalt  }
0x3f: {  	_ =	shalt  }
0x40: {  	_ =	shalt  }
0x41: {  	_ =	shalt  }
0x42: {  	_ =	shalt  }
0x43: {  	_ =	shalt  }
0x44: {  	_ =	shalt  }
0x45: {  	_ =	shalt  }
0x46: {  	_ =	shalt  }
0x47: {  	_ =	shalt  }
0x48: {  	_ =	shalt  }
0x49: {  	_ =	shalt  }
0x4a: {  	_ =	shalt  }
0x4b: {  	_ =	shalt  }
0x4c: {  	_ =	shalt  }
0x4d: {  	_ =	shalt  }
0x4e: {  	_ =	shalt  }
0x4f: {  	_ =	shalt  }
0x50: {  	_ =	shalt  }
0x51: {  	_ =	shalt  }
0x52: {  	_ =	shalt  }
0x53: {  	_ =	shalt  }
0x54: {  	_ =	shalt  }
0x55: {  	_ =	shalt  }
0x56: {  	_ =	shalt  }
0x57: {  	_ =	shalt  }
0x58: {  	_ =	shalt  }
0x59: {  	_ =	shalt  }
0x5a: {  	_ =	shalt  }
0x5b: {  	_ =	shalt  }
0x5c: {  	_ =	shalt  }
0x5d: {  	_ =	shalt  }
0x5e: {  	_ =	shalt  }
0x5f: {  	_ =	shalt  }
0x60: {  	_ =	shalt  }
0x61: {  	_ =	shalt  }
0x62: {  	_ =	shalt  }
0x63: {  	_ =	shalt  }
0x64: {  	_ =	shalt  }
0x65: {  	_ =	shalt  }
0x66: {  	_ =	shalt  }
0x67: {  	_ =	shalt  }
0x68: {  	_ =	shalt  }
0x69: {  	_ =	shalt  }
0x6a: {  	_ =	shalt  }
0x6b: {  	_ =	shalt  }
0x6c: {  	_ =	shalt  }
0x6d: {  	_ =	shalt  }
0x6e: {  	_ =	shalt  }
0x6f: {  	_ =	shalt  }
0x70: {  	_ =	shalt  }
0x71: {  	_ =	shalt  }
0x72: {  	_ =	shalt  }
0x73: {  	_ =	shalt  }
0x74: {  	_ =	shalt  }
0x75: {  	_ =	shalt  }
0x76: {  	_ =	shalt  }
0x77: {  	_ =	shalt  }
0x78: {  	_ =	shalt  }
0x79: {  	_ =	shalt  }
0x7a: {  	_ =	shalt  }
0x7b: {  	_ =	shalt  }
0x7c: {  	_ =	shalt  }
0x7d: {  	_ =	shalt  }
0x7e: {  	_ =	shalt  }
0x7f: {  	_ =	shalt  }
0x80: {  	_ =	shalt  }
0x81: {  	_ =	shalt  }
0x82: {  	_ =	shalt  }
0x83: {  	_ =	shalt  }
0x84: {  	_ =	shalt  }
0x85: {  	_ =	shalt  }
0x86: {  	_ =	shalt  }
0x87: {  	_ =	shalt  }
.Lfunc_end0:
.L_simem_size_0:
called_computation_lowered:
.L_overlay_start_0:
0x88: {  	s2 =	sld [smem:$0x3FD9]  }
0x89: {  	s3 =	sld [smem:$0x3FFE];
	_ =	sdelay $0x1  }
0x8a: {  	s1 =	srdreg.scid  }
0x8b: {  	s0 =	sand.u32 $0x1, s1  }
0x8c: {  	s17 =	sshll.u32 s0, $0xA;
	s2 =	sadd.s32 s3, s2  }
0x8d: {  	s2 =	sadd.s32 s2, s17  }
0x8e: {  	[smem:$0x3FC0] =	sst s2  }
0x8f: {  	_ = 	snop  }
0x90: {  	s2 =	sld [smem:$0x3FC8];
	(tm) =	ssettm $0x1  }
0x91: {  	s18 =	sld [smem:$0x3FFB];
	_ =	sdelay $0x3  }
0x92: {  	_ =	strace s18  }
0x93: {  	s3 =	sld [smem:$0x3FFC];
	_ =	sdelay $0x3  }
0x94: {  	_ =	strace s3  }
0x95: {  	s3 =	sld [smem:$0x3FFD];
	_ =	sdelay $0x3  }
0x96: {  	_ =	strace s3  }
0x97: {  	_ =	strace $0x8FFFFFFF  }
0x98: {  	s19 =	sld [smem:$0x3FDB];
	_ =	sdelay $0x1  }
0x99: {  	s4 =	simm.s32 $_scs_section_size  }
0x9a: {  	s5 =	simm.s32 $_size__tile_overlayer_lowered;
	s6 =	simm.s32 $_tile_overlayer_lowered  }
0x9b: {  	s22 =	simm.s32 $0x1BFF;
	s21 =	sshll.u32 s6, $0x1;
	s3 =	sadd.s32 s4, s19  }
0x9c: {  	s7 =	simm.s32 $0x0;
	s20 =	sshll.u32 s5, $0x1;
	s5 =	sadd.s32 s21, s3  }
0x9d: {  	[timem:s7], [sflag:s22] =	dma.local [hbm:s5], s20  }
0x9e: {  	_ =	swait.ge [sflag:s22], s20  }
0x9f: {  	s4 =	ssub.s32 $0x0, s20;
	[sflag:s22] =	ssyncset.done $0x0  }
0xa0: {  	[sflag:s22] =	ssyncadd.s32 s4;
	_ =	sdelay $0x1  }
0xa1: {  	s23 =	simm.s32 $0x1B8B  }
0xa2: {  	_ =	swait.ge [sflag:s23], $0x1  }
0xa3: {  	[sflag:s23] =	ssyncset.done $0x0  }
0xa4: {  	s25 =	simm.s32 $0x1B8E;
	s24 =	sld [smem:$0x3FFE];
	[sflag:s23] =	ssyncadd.s32 $0xFFFFFFFF  }
0xa5: {  	s26 =	simm.s32 $execute0_lowered;
	[smem:$0x3FD2] =	sst s25  }
0xa6: {  	s5 =	sshll.u32 s26, $0x1;
	_ =	strace $0x80000046;
	[dreg:$0x1] =	wrdreg $0xFFFFFFFF  }
0xa7: {  	s28 =	simm.s32 $_size_execute0_lowered;
	s3 =	sadd.s32 s3, s5;
	[dreg:$0x0] =	wrdreg $0x0  }
0xa8: {  	s5 =	sshll.u32 s28, $0x1;
	[dreg:$0x2] =	wrdreg s3  }
0xa9: {  	[dreg:$0x3] =	wrdreg s5  }
0xaa: {  	[dreg:$0x4] =	wrdreg $0xC0  }
0xab: {  	_ =	task [dreg:s7], $0x5FFFF  }
0xac: {  	[dreg:$0x1] =	wrdreg $0xFFFFFFFF  }
0xad: {  	[dreg:$0x0] =	wrdreg $0x60  }
0xae: {  	[dreg:$0x2] =	wrdreg s24  }
0xaf: {  	[dreg:$0x3] =	wrdreg s2  }
0xb0: {  	[dreg:$0x4] =	wrdreg $0x9  }
0xb1: {  	_ =	task.clear_ibuf [dreg:s7], $0x5FFFF;
	_ =	strace $0x90000046  }
0xb2: {  	s29 =	simm.s32 $0x9;
	_ =	strace $0x80000048  }
0xb3: {  	_ =	swait.ge [sflag:s29], $0x1  }
0xb4: {  	[sflag:s29] =	ssyncadd.s32 $0xFFFFFFFF  }
0xb5: {  	_ =	strace $0x90000048  }
0xb6: {  	_ =	sfence  }
0xb7: {  	s30 =	sld [smem:$0x0];
	_ =	sdelay $0x2  }
0xb8: {  	s31 =	sshll.u32 s1, $0xD;
	s1 =	sshrl.u32 s1, $0x2  }
0xb9: {  	s3 =	sand.u32 $0x4000, s31;
	s1 =	sadd.s32 s1, s30  }
0xba: {  	s0 =	sor.u32 s3, s0;
	s1 =	sshll.u32 s1, $0x11  }
0xbb: {  	s0 =	sor.u32 s1, s0  }
0xbc: {  	s0 =	sadd.s32 $0x8F2B, s0  }
0xbd: {  	[sflag:s0] =	ssyncadd.remote.s32 $0x1  }
0xbe: {  	_ =	sfence.sel $0xFFFF  }
0xbf: {  	[dreg:$0x0] =	wrdreg $0xFFFFFFFF;
	(pc) =	sbr.abs _section_cstart, $3  }
0xc0: {  	[dreg:$0x1] =	wrdreg $0xFFFFFFFF  }
0xc1: {  	_ =	task.clear_ibuf [dreg:s7], $0x2FFFF;
	_ =	strace $0x9FFFFFFF  }
0xc2: {  	(tm) =	ssettm $0x7FFFFFFF  }
0xc3: {  	_ =	shalt  }
tec
execute0_lowered:
.L_overlay_start_1:
0x0: {  	(tag) =	ssettag $0x1  }
0x1: {  	s0 =	srdreg.scid  }
0x2: {  	s17 =	stileid.u32;
	s1 =	rddreg [dreg:$0x0]  }
0x3: {  	s3 =	rddreg [dreg:$0x1];
	s0 =	sand.u32 $0x1, s0;
	s2 =	sshll.u32 s17, $0x1  }
0x4: {  	s21 =	simm.s32 $0x80;
	s4 =	sor.u32 s0, s2;
	s2 =	simm.s32 $0x0  }
0x5: {  	s22 =	simm.s32 $0x100;
	s5 =	smul.u32 $0x180, s4;
	[smem:$0x7FF] =	sst s2  }
0x6: {  	s6 =	smul.u32 $0x32000, s4;
	_ =	strace $0x80000047;
	[dreg:$0x18] =	wrdreg s21  }
0x7: {  	s4 =	smul.u32 $0x6400, s4;
	[dreg:$0x19] =	wrdreg s22;
	s5 =	sadd.s32 s5, s1  }
0x8: {  	s1 =	sadd.s32 $0x3C00, s1;
	s6 =	sshrl.u32 s6, $0x3;
	s5 =	sadd.s32 $0xC00, s5  }
0x9: {  	s4 =	sadd.s32 s1, s4;
	s1 =	sadd.s32 s1, s6;
	[dreg:$0x3] =	wrdreg s5  }
0xa: {  	[dreg:$0x4] =	wrdreg s4;
	s23 =	sadd.s32 $0x500, s1  }
0xb: {  	s24 =	sadd.s32 $0xA00, s1;
	[dreg:$0x5] =	wrdreg s23  }
0xc: {  	s25 =	sadd.s32 $0xF00, s1;
	[dreg:$0x6] =	wrdreg s24  }
0xd: {  	s26 =	sadd.s32 $0x1400, s1;
	[dreg:$0x7] =	wrdreg s25  }
0xe: {  	s5 =	sadd.s32 $0x1900, s1;
	[dreg:$0x8] =	wrdreg s26  }
0xf: {  	s31 =	simm.s32 $0x9;
	s6 =	sadd.s32 $0x1E00, s1;
	[dreg:$0x9] =	wrdreg s5  }
0x10: {  	s30 =	simm.s32 $0x400;
	s7 =	sadd.s32 $0x2300, s1;
	[dreg:$0xa] =	wrdreg s6  }
0x11: {  	s29 =	simm.s32 $0x480;
	s8 =	sadd.s32 $0x2800, s1;
	[dreg:$0xb] =	wrdreg s7  }
0x12: {  	s28 =	simm.s32 $0x500;
	s9 =	sadd.s32 $0x2D00, s1;
	[dreg:$0xc] =	wrdreg s8  }
0x13: {  	p0 =	por $0x0, $0x0;
	s10 =	sadd.s32 $0x3200, s1;
	[dreg:$0xd] =	wrdreg s9  }
0x14: {  	s0 =	ssub.s32 $0x2, s0;
	s11 =	sadd.s32 $0x3700, s1;
	[dreg:$0xe] =	wrdreg s10  }
0x15: {  	s19 =	sshrl.u32 s0, $0x1;
	s12 =	sadd.s32 $0x3C00, s1;
	[dreg:$0xf] =	wrdreg s11  }
0x16: {  	s0 =	ssub.s32 s0, s19;
	s13 =	sadd.s32 $0x4100, s1;
	[dreg:$0x10] =	wrdreg s12  }
0x17: {  	s22 =	simm.s32 $0x780;
	s14 =	sadd.s32 $0x4600, s1;
	[dreg:$0x11] =	wrdreg s13  }
0x18: {  	s21 =	simm.s32 $0x800;
	s15 =	sadd.s32 $0x4B00, s1;
	[dreg:$0x12] =	wrdreg s14  }
0x19: {  	s19 =	simm.s32 $0x900;
	s16 =	sadd.s32 $0x5000, s1;
	[dreg:$0x13] =	wrdreg s15  }
0x1a: {  	s0 =	smax.u32 s0, $0x1;
	s18 =	sadd.s32 $0x5500, s1;
	[dreg:$0x14] =	wrdreg s16  }
0x1b: {  	p1 =	sne.s32 s0, $0x1;
	s20 =	sadd.s32 $0x5A00, s1;
	[dreg:$0x15] =	wrdreg s18  }
0x1c: {  	s1 =	sadd.s32 $0x5F00, s1;
	s4 =	simm.s32 $0x5;
	[dreg:$0x16] =	wrdreg s20  }
0x1d: {  	[dreg:$0x17] =	wrdreg s1;
	s11 =	simm.s32 $0x50;
	s12 =	simm.s32 $0xC00  }
0x1e: {  	s10 =	simm.s32 $0x3400;
	s6 =	simm.s32 $0x5C00;
	s23 =	simm.s32 $0x180  }
0x1f: {  	s16 =	simm.s32 $0x1;
	s5 =	simm.s32 $0x8400;
	s15 =	simm.s32 $0x2  }
0x20: {  	s24 =	simm.s32 $0x200;
	s13 =	simm.s32 $0x3;
	s25 =	simm.s32 $0x280  }
0x21: {  	s7 =	simm.s32 $0x6;
	s1 =	sadd.s32 $0xFFFFFFFF, s0;
	s0 =	rddreg [dreg:$0x3]  }
.Ltmp0:
0x22: {  	s26 =	simm.s32 $0x300;
	[dreg:$0x1a] =	wrdreg s23;
	(pc) =	sbr.rel @!p1 .LBB2_1-.Ltmp0, $4  }
0x23: {  	s14 =	simm.s32 $0x4;
	s9 =	simm.s32 $0x7;
	[dreg:$0x1b] =	wrdreg s24  }
0x24: {  	s8 =	simm.s32 $0x8;
	s20 =	simm.s32 $0x880;
	[dreg:$0x1c] =	wrdreg s25  }
0x25: {  	s18 =	simm.s32 $0x980;
	[dreg:$0x1d] =	wrdreg s26;
	s26 =	simm.s32 $0x580  }
0x26: {  	s25 =	simm.s32 $0x600;
	s24 =	simm.s32 $0x680;
	s23 =	simm.s32 $0x700  }
0x27: {  	[tilespmem:s2], [sflag:$0x9] =	stream.linear.gather [hbm4b:s0+s2], $0xA00, $0x38;
	[tilespmem:$0xAC00] =	vst v63  }
0x28: {  	_ =	swait.ge [sflag:s31], $0xA00  }
0x29: {  	[sflag:s31] =	ssyncset.done $0x0  }
0x2a: {  	[sflag:s31] =	ssyncadd.s32 $0xFFFFF600  }
0x2b: {  	[tilespmem:s12], [sflag:$0x1] =	stream.indirect.gather [hbm4b:s3+s11], $0x80, s2, s11, $0xb8;
	[tilespmem:$0xAC00] =	vst v63  }
0x2c: {  	s0 =	rddreg [dreg:$0x18]  }
0x2d: {  	[tilespmem:s10], [sflag:$0x2] =	stream.indirect.gather [hbm4b:s3+s11], $0x80, s0, s11, $0xb8;
	[tilespmem:$0xAC00] =	vst v63  }
0x2e: {  	s17 =	smov.u32 s1;
	s1 =	rddreg [dreg:$0x19]  }
0x2f: {  	[tilespmem:s6], [sflag:$0x3] =	stream.indirect.gather [hbm4b:s3+s11], $0x80, s1, s11, $0xb8;
	[tilespmem:$0xAC00] =	vst v63  }
0x30: {  	_ =	swait.ge [sflag:s16], $0x2800  }
0x31: {  	[sflag:s16] =	ssyncset.done $0x0  }
0x32: {  	s0 =	rddreg [dreg:$0x4];
	[sflag:s16] =	ssyncadd.s32 $0xFFFFD800  }
0x33: {  	[hbm4b:s0+s2] =	stream.linear.scatter [tilespmem:s12], [sflag:$0x5], $0x2800, $0x38;
	[tilespmem:$0xAC00] =	vst v63  }
0x34: {  	s1 =	rddreg [dreg:$0x1a]  }
0x35: {  	[tilespmem:s5], [sflag:$0x4] =	stream.indirect.gather [hbm4b:s3+s11], $0x80, s1, s11, $0xb8;
	[tilespmem:$0xAC00] =	vst v63  }
0x36: {  	_ =	swait.ge [sflag:s15], $0x2800  }
0x37: {  	[sflag:s15] =	ssyncset.done $0x0  }
0x38: {  	s1 =	rddreg [dreg:$0x5];
	[sflag:s15] =	ssyncadd.s32 $0xFFFFD800  }
0x39: {  	[hbm4b:s1+s2] =	stream.linear.scatter [tilespmem:s10], [sflag:$0x6], $0x2800, $0x38;
	[tilespmem:$0xAC00] =	vst v63  }
0x3a: {  	_ =	swait.ge [sflag:s4], $0x2800  }
0x3b: {  	[sflag:s4] =	ssyncset.done $0x0  }
0x3c: {  	s1 =	rddreg [dreg:$0x1b];
	[sflag:s4] =	ssyncadd.s32 $0xFFFFD800  }
0x3d: {  	[tilespmem:s12], [sflag:$0x1] =	stream.indirect.gather [hbm4b:s3+s11], $0x80, s1, s11, $0xb8;
	[tilespmem:$0xAC00] =	vst v63  }
0x3e: {  	_ =	swait.ge [sflag:s13], $0x2800  }
0x3f: {  	[sflag:s13] =	ssyncset.done $0x0  }
0x40: {  	s1 =	rddreg [dreg:$0x6];
	[sflag:s13] =	ssyncadd.s32 $0xFFFFD800  }
0x41: {  	[hbm4b:s1+s2] =	stream.linear.scatter [tilespmem:s6], [sflag:$0x7], $0x2800, $0x38;
	[tilespmem:$0xAC00] =	vst v63  }
0x42: {  	_ =	swait.ge [sflag:s7], $0x2800  }
0x43: {  	[sflag:s7] =	ssyncset.done $0x0  }
0x44: {  	s1 =	rddreg [dreg:$0x1c];
	[sflag:s7] =	ssyncadd.s32 $0xFFFFD800  }
0x45: {  	[tilespmem:s10], [sflag:$0x2] =	stream.indirect.gather [hbm4b:s3+s11], $0x80, s1, s11, $0xb8;
	[tilespmem:$0xAC00] =	vst v63  }
0x46: {  	_ =	swait.ge [sflag:s14], $0x2800  }
0x47: {  	[sflag:s14] =	ssyncset.done $0x0  }
0x48: {  	s1 =	rddreg [dreg:$0x7];
	[sflag:s14] =	ssyncadd.s32 $0xFFFFD800  }
0x49: {  	[hbm4b:s1+s2] =	stream.linear.scatter [tilespmem:s5], [sflag:$0x8], $0x2800, $0x38;
	[tilespmem:$0xAC00] =	vst v63  }
0x4a: {  	_ =	swait.ge [sflag:s9], $0x2800  }
0x4b: {  	[sflag:s9] =	ssyncset.done $0x0  }
0x4c: {  	s1 =	rddreg [dreg:$0x1d];
	[sflag:s9] =	ssyncadd.s32 $0xFFFFD800  }
0x4d: {  	[tilespmem:s6], [sflag:$0x3] =	stream.indirect.gather [hbm4b:s3+s11], $0x80, s1, s11, $0xb8;
	[tilespmem:$0xAC00] =	vst v63  }
0x4e: {  	_ =	swait.ge [sflag:s16], $0x2800  }
0x4f: {  	[sflag:s16] =	ssyncset.done $0x0  }
0x50: {  	s1 =	rddreg [dreg:$0x8];
	[sflag:s16] =	ssyncadd.s32 $0xFFFFD800  }
0x51: {  	[hbm4b:s1+s2] =	stream.linear.scatter [tilespmem:s12], [sflag:$0x5], $0x2800, $0x38;
	[tilespmem:$0xAC00] =	vst v63  }
0x52: {  	_ =	swait.ge [sflag:s8], $0x2800  }
0x53: {  	[sflag:s8] =	ssyncset.done $0x0  }
0x54: {  	s1 =	simm.s32 $0x380;
	[sflag:s8] =	ssyncadd.s32 $0xFFFFD800  }
0x55: {  	[tilespmem:s5], [sflag:$0x4] =	stream.indirect.gather [hbm4b:s3+s11], $0x80, s1, s11, $0xb8;
	[tilespmem:$0xAC00] =	vst v63  }
0x56: {  	_ =	swait.ge [sflag:s15], $0x2800  }
0x57: {  	[sflag:s15] =	ssyncset.done $0x0  }
0x58: {  	s1 =	rddreg [dreg:$0x9];
	[sflag:s15] =	ssyncadd.s32 $0xFFFFD800  }
0x59: {  	[hbm4b:s1+s2] =	stream.linear.scatter [tilespmem:s10], [sflag:$0x6], $0x2800, $0x38;
	[tilespmem:$0xAC00] =	vst v63  }
0x5a: {  	_ =	swait.ge [sflag:s4], $0x2800  }
0x5b: {  	[sflag:s4] =	ssyncset.done $0x0  }
0x5c: {  	[sflag:s4] =	ssyncadd.s32 $0xFFFFD800  }
0x5d: {  	[tilespmem:s12], [sflag:$0x1] =	stream.indirect.gather [hbm4b:s3+s11], $0x80, s30, s11, $0xb8;
	[tilespmem:$0xAC00] =	vst v63  }
0x5e: {  	_ =	swait.ge [sflag:s13], $0x2800  }
0x5f: {  	[sflag:s13] =	ssyncset.done $0x0  }
0x60: {  	s1 =	rddreg [dreg:$0xa];
	[sflag:s13] =	ssyncadd.s32 $0xFFFFD800  }
0x61: {  	[hbm4b:s1+s2] =	stream.linear.scatter [tilespmem:s6], [sflag:$0x7], $0x2800, $0x38;
	[tilespmem:$0xAC00] =	vst v63  }
0x62: {  	_ =	swait.ge [sflag:s7], $0x2800  }
0x63: {  	[sflag:s7] =	ssyncset.done $0x0  }
0x64: {  	[sflag:s7] =	ssyncadd.s32 $0xFFFFD800  }
0x65: {  	[tilespmem:s10], [sflag:$0x2] =	stream.indirect.gather [hbm4b:s3+s11], $0x80, s29, s11, $0xb8;
	[tilespmem:$0xAC00] =	vst v63  }
0x66: {  	_ =	swait.ge [sflag:s14], $0x2800  }
0x67: {  	[sflag:s14] =	ssyncset.done $0x0  }
0x68: {  	s1 =	rddreg [dreg:$0xb];
	[sflag:s14] =	ssyncadd.s32 $0xFFFFD800  }
0x69: {  	[hbm4b:s1+s2] =	stream.linear.scatter [tilespmem:s5], [sflag:$0x8], $0x2800, $0x38;
	[tilespmem:$0xAC00] =	vst v63  }
0x6a: {  	_ =	swait.ge [sflag:s9], $0x2800  }
0x6b: {  	[sflag:s9] =	ssyncset.done $0x0  }
0x6c: {  	[sflag:s9] =	ssyncadd.s32 $0xFFFFD800  }
0x6d: {  	[tilespmem:s6], [sflag:$0x3] =	stream.indirect.gather [hbm4b:s3+s11], $0x80, s28, s11, $0xb8;
	[tilespmem:$0xAC00] =	vst v63  }
0x6e: {  	_ =	swait.ge [sflag:s16], $0x2800  }
0x6f: {  	[sflag:s16] =	ssyncset.done $0x0  }
0x70: {  	s1 =	rddreg [dreg:$0xc];
	[sflag:s16] =	ssyncadd.s32 $0xFFFFD800  }
0x71: {  	[hbm4b:s1+s2] =	stream.linear.scatter [tilespmem:s12], [sflag:$0x5], $0x2800, $0x38;
	[tilespmem:$0xAC00] =	vst v63  }
0x72: {  	_ =	swait.ge [sflag:s8], $0x2800  }
0x73: {  	[sflag:s8] =	ssyncset.done $0x0  }
0x74: {  	[sflag:s8] =	ssyncadd.s32 $0xFFFFD800  }
0x75: {  	[tilespmem:s5], [sflag:$0x4] =	stream.indirect.gather [hbm4b:s3+s11], $0x80, s26, s11, $0xb8;
	[tilespmem:$0xAC00] =	vst v63  }
0x76: {  	_ =	swait.ge [sflag:s15], $0x2800  }
0x77: {  	[sflag:s15] =	ssyncset.done $0x0  }
0x78: {  	s1 =	rddreg [dreg:$0xd];
	[sflag:s15] =	ssyncadd.s32 $0xFFFFD800  }
0x79: {  	[hbm4b:s1+s2] =	stream.linear.scatter [tilespmem:s10], [sflag:$0x6], $0x2800, $0x38;
	[tilespmem:$0xAC00] =	vst v63  }
0x7a: {  	_ =	swait.ge [sflag:s4], $0x2800  }
0x7b: {  	[sflag:s4] =	ssyncset.done $0x0  }
0x7c: {  	[sflag:s4] =	ssyncadd.s32 $0xFFFFD800  }
0x7d: {  	[tilespmem:s12], [sflag:$0x1] =	stream.indirect.gather [hbm4b:s3+s11], $0x80, s25, s11, $0xb8;
	[tilespmem:$0xAC00] =	vst v63  }
0x7e: {  	_ =	swait.ge [sflag:s13], $0x2800  }
0x7f: {  	[sflag:s13] =	ssyncset.done $0x0  }
0x80: {  	s1 =	rddreg [dreg:$0xe];
	[sflag:s13] =	ssyncadd.s32 $0xFFFFD800  }
0x81: {  	[hbm4b:s1+s2] =	stream.linear.scatter [tilespmem:s6], [sflag:$0x7], $0x2800, $0x38;
	[tilespmem:$0xAC00] =	vst v63  }
0x82: {  	_ =	swait.ge [sflag:s7], $0x2800  }
0x83: {  	[sflag:s7] =	ssyncset.done $0x0  }
0x84: {  	[sflag:s7] =	ssyncadd.s32 $0xFFFFD800  }
0x85: {  	[tilespmem:s10], [sflag:$0x2] =	stream.indirect.gather [hbm4b:s3+s11], $0x80, s24, s11, $0xb8;
	[tilespmem:$0xAC00] =	vst v63  }
0x86: {  	_ =	swait.ge [sflag:s14], $0x2800  }
0x87: {  	[sflag:s14] =	ssyncset.done $0x0  }
0x88: {  	s1 =	rddreg [dreg:$0xf];
	[sflag:s14] =	ssyncadd.s32 $0xFFFFD800  }
0x89: {  	[hbm4b:s1+s2] =	stream.linear.scatter [tilespmem:s5], [sflag:$0x8], $0x2800, $0x38;
	[tilespmem:$0xAC00] =	vst v63  }
0x8a: {  	_ =	swait.ge [sflag:s9], $0x2800  }
0x8b: {  	[sflag:s9] =	ssyncset.done $0x0  }
0x8c: {  	[sflag:s9] =	ssyncadd.s32 $0xFFFFD800  }
0x8d: {  	[tilespmem:s6], [sflag:$0x3] =	stream.indirect.gather [hbm4b:s3+s11], $0x80, s23, s11, $0xb8;
	[tilespmem:$0xAC00] =	vst v63  }
0x8e: {  	_ =	swait.ge [sflag:s16], $0x2800  }
0x8f: {  	[sflag:s16] =	ssyncset.done $0x0  }
0x90: {  	s1 =	rddreg [dreg:$0x10];
	[sflag:s16] =	ssyncadd.s32 $0xFFFFD800  }
0x91: {  	[hbm4b:s1+s2] =	stream.linear.scatter [tilespmem:s12], [sflag:$0x5], $0x2800, $0x38;
	[tilespmem:$0xAC00] =	vst v63  }
0x92: {  	_ =	swait.ge [sflag:s8], $0x2800  }
0x93: {  	[sflag:s8] =	ssyncset.done $0x0  }
0x94: {  	[sflag:s8] =	ssyncadd.s32 $0xFFFFD800  }
0x95: {  	[tilespmem:s5], [sflag:$0x4] =	stream.indirect.gather [hbm4b:s3+s11], $0x80, s22, s11, $0xb8;
	[tilespmem:$0xAC00] =	vst v63  }
0x96: {  	_ =	swait.ge [sflag:s15], $0x2800  }
0x97: {  	[sflag:s15] =	ssyncset.done $0x0  }
0x98: {  	s1 =	rddreg [dreg:$0x11];
	[sflag:s15] =	ssyncadd.s32 $0xFFFFD800  }
0x99: {  	[hbm4b:s1+s2] =	stream.linear.scatter [tilespmem:s10], [sflag:$0x6], $0x2800, $0x38;
	[tilespmem:$0xAC00] =	vst v63  }
0x9a: {  	_ =	swait.ge [sflag:s4], $0x2800  }
0x9b: {  	[sflag:s4] =	ssyncset.done $0x0  }
0x9c: {  	[sflag:s4] =	ssyncadd.s32 $0xFFFFD800  }
0x9d: {  	[tilespmem:s12], [sflag:$0x1] =	stream.indirect.gather [hbm4b:s3+s11], $0x80, s21, s11, $0xb8;
	[tilespmem:$0xAC00] =	vst v63  }
0x9e: {  	_ =	swait.ge [sflag:s13], $0x2800  }
0x9f: {  	[sflag:s13] =	ssyncset.done $0x0  }
0xa0: {  	s1 =	rddreg [dreg:$0x12];
	[sflag:s13] =	ssyncadd.s32 $0xFFFFD800  }
0xa1: {  	[hbm4b:s1+s2] =	stream.linear.scatter [tilespmem:s6], [sflag:$0x7], $0x2800, $0x38;
	[tilespmem:$0xAC00] =	vst v63  }
0xa2: {  	_ =	swait.ge [sflag:s7], $0x2800  }
0xa3: {  	[sflag:s7] =	ssyncset.done $0x0  }
0xa4: {  	[sflag:s7] =	ssyncadd.s32 $0xFFFFD800  }
0xa5: {  	[tilespmem:s10], [sflag:$0x2] =	stream.indirect.gather [hbm4b:s3+s11], $0x80, s20, s11, $0xb8;
	[tilespmem:$0xAC00] =	vst v63  }
0xa6: {  	_ =	swait.ge [sflag:s14], $0x2800  }
0xa7: {  	[sflag:s14] =	ssyncset.done $0x0  }
0xa8: {  	s1 =	rddreg [dreg:$0x13];
	[sflag:s14] =	ssyncadd.s32 $0xFFFFD800  }
0xa9: {  	[hbm4b:s1+s2] =	stream.linear.scatter [tilespmem:s5], [sflag:$0x8], $0x2800, $0x38;
	[tilespmem:$0xAC00] =	vst v63  }
0xaa: {  	_ =	swait.ge [sflag:s9], $0x2800  }
0xab: {  	[sflag:s9] =	ssyncset.done $0x0  }
0xac: {  	[sflag:s9] =	ssyncadd.s32 $0xFFFFD800  }
0xad: {  	[tilespmem:s6], [sflag:$0x3] =	stream.indirect.gather [hbm4b:s3+s11], $0x80, s19, s11, $0xb8;
	[tilespmem:$0xAC00] =	vst v63  }
0xae: {  	_ =	swait.ge [sflag:s16], $0x2800  }
0xaf: {  	[sflag:s16] =	ssyncset.done $0x0  }
0xb0: {  	s1 =	rddreg [dreg:$0x14];
	[sflag:s16] =	ssyncadd.s32 $0xFFFFD800  }
0xb1: {  	[hbm4b:s1+s2] =	stream.linear.scatter [tilespmem:s12], [sflag:$0x5], $0x2800, $0x38;
	[tilespmem:$0xAC00] =	vst v63  }
0xb2: {  	_ =	swait.ge [sflag:s8], $0x2800  }
0xb3: {  	[sflag:s8] =	ssyncset.done $0x0  }
0xb4: {  	[sflag:s8] =	ssyncadd.s32 $0xFFFFD800  }
0xb5: {  	[tilespmem:s5], [sflag:$0x4] =	stream.indirect.gather [hbm4b:s3+s11], $0x80, s18, s11, $0xb8;
	[tilespmem:$0xAC00] =	vst v63  }
0xb6: {  	_ =	swait.ge [sflag:s15], $0x2800  }
0xb7: {  	[sflag:s15] =	ssyncset.done $0x0  }
0xb8: {  	s1 =	rddreg [dreg:$0x15];
	[sflag:s15] =	ssyncadd.s32 $0xFFFFD800  }
0xb9: {  	[hbm4b:s1+s2] =	stream.linear.scatter [tilespmem:s10], [sflag:$0x6], $0x2800, $0x38;
	[tilespmem:$0xAC00] =	vst v63  }
0xba: {  	_ =	swait.ge [sflag:s13], $0x2800  }
0xbb: {  	[sflag:s13] =	ssyncset.done $0x0  }
0xbc: {  	s1 =	rddreg [dreg:$0x16];
	[sflag:s13] =	ssyncadd.s32 $0xFFFFD800  }
0xbd: {  	[hbm4b:s1+s2] =	stream.linear.scatter [tilespmem:s6], [sflag:$0x7], $0x2800, $0x38;
	[tilespmem:$0xAC00] =	vst v63  }
0xbe: {  	_ =	swait.ge [sflag:s14], $0x2800  }
0xbf: {  	[sflag:s14] =	ssyncset.done $0x0  }
0xc0: {  	s1 =	rddreg [dreg:$0x17];
	[sflag:s14] =	ssyncadd.s32 $0xFFFFD800  }
0xc1: {  	[hbm4b:s1+s2] =	stream.linear.scatter [tilespmem:s5], [sflag:$0x8], $0x2800, $0x38;
	[tilespmem:$0xAC00] =	vst v63  }
0xc2: {  	_ =	swait.ge [sflag:s4], $0x2800  }
0xc3: {  	[sflag:s4] =	ssyncset.done $0x0  }
0xc4: {  	[sflag:s4] =	ssyncadd.s32 $0xFFFFD800  }
0xc5: {  	_ =	swait.ge [sflag:s7], $0x2800  }
0xc6: {  	[sflag:s7] =	ssyncset.done $0x0  }
0xc7: {  	p1 =	sne.s32 s17, $0x1;
	[sflag:s7] =	ssyncadd.s32 $0xFFFFD800  }
.Ltmp1:
0xc8: {  	_ =	swait.ge [sflag:s9], $0x2800;
	(pc) =	sbr.rel @!p1 .LBB2_3-.Ltmp1, $4  }
0xc9: {  	[sflag:s9] =	ssyncset.done $0x0  }
0xca: {  	[sflag:s9] =	ssyncadd.s32 $0xFFFFD800  }
0xcb: {  	p0 =	por $0x1, $0x1;
	_ =	swait.ge [sflag:s8], $0x2800  }
0xcc: {  	s1 =	sadd.s32 $0xFFFFFFFF, s17;
	s0 =	rddreg [dreg:$0x3];
	[sflag:s8] =	ssyncset.done $0x0  }
.LBB2_4:
0xcd: {  	[sflag:s8] =	ssyncadd.s32 $0xFFFFD800  }
0xce: {  	[tilespmem:s2], [sflag:$0x9] =	stream.linear.gather [hbm4b:s0+s2], $0xA00, $0x38;
	[tilespmem:$0xAC00] =	vst v63  }
0xcf: {  	_ =	swait.ge [sflag:s31], $0xA00  }
0xd0: {  	[sflag:s31] =	ssyncset.done $0x0  }
0xd1: {  	[sflag:s31] =	ssyncadd.s32 $0xFFFFF600  }
0xd2: {  	[tilespmem:s12], [sflag:$0x1] =	stream.indirect.gather [hbm4b:s3+s11], $0x80, s2, s11, $0xb8;
	[tilespmem:$0xAC00] =	vst v63  }
0xd3: {  	s0 =	rddreg [dreg:$0x18]  }
0xd4: {  	[tilespmem:s10], [sflag:$0x2] =	stream.indirect.gather [hbm4b:s3+s11], $0x80, s0, s11, $0xb8;
	[tilespmem:$0xAC00] =	vst v63  }
0xd5: {  	s17 =	rddreg [dreg:$0x19]  }
0xd6: {  	[tilespmem:s6], [sflag:$0x3] =	stream.indirect.gather [hbm4b:s3+s11], $0x80, s17, s11, $0xb8;
	[tilespmem:$0xAC00] =	vst v63  }
0xd7: {  	_ =	swait.ge [sflag:s16], $0x2800  }
0xd8: {  	[sflag:s16] =	ssyncset.done $0x0  }
0xd9: {  	s0 =	rddreg [dreg:$0x4];
	[sflag:s16] =	ssyncadd.s32 $0xFFFFD800  }
0xda: {  	[hbm4b:s0+s2] =	stream.linear.scatter [tilespmem:s12], [sflag:$0x5], $0x2800, $0x38;
	[tilespmem:$0xAC00] =	vst v63  }
0xdb: {  	s17 =	rddreg [dreg:$0x1a]  }
0xdc: {  	[tilespmem:s5], [sflag:$0x4] =	stream.indirect.gather [hbm4b:s3+s11], $0x80, s17, s11, $0xb8;
	[tilespmem:$0xAC00] =	vst v63  }
0xdd: {  	_ =	swait.ge [sflag:s15], $0x2800  }
0xde: {  	[sflag:s15] =	ssyncset.done $0x0  }
0xdf: {  	s17 =	rddreg [dreg:$0x5];
	[sflag:s15] =	ssyncadd.s32 $0xFFFFD800  }
0xe0: {  	[hbm4b:s17+s2] =	stream.linear.scatter [tilespmem:s10], [sflag:$0x6], $0x2800, $0x38;
	[tilespmem:$0xAC00] =	vst v63  }
0xe1: {  	_ =	swait.ge [sflag:s4], $0x2800  }
0xe2: {  	[sflag:s4] =	ssyncset.done $0x0  }
0xe3: {  	s17 =	rddreg [dreg:$0x1b];
	[sflag:s4] =	ssyncadd.s32 $0xFFFFD800  }
0xe4: {  	[tilespmem:s12], [sflag:$0x1] =	stream.indirect.gather [hbm4b:s3+s11], $0x80, s17, s11, $0xb8;
	[tilespmem:$0xAC00] =	vst v63  }
0xe5: {  	_ =	swait.ge [sflag:s13], $0x2800  }
0xe6: {  	[sflag:s13] =	ssyncset.done $0x0  }
0xe7: {  	s17 =	rddreg [dreg:$0x6];
	[sflag:s13] =	ssyncadd.s32 $0xFFFFD800  }
0xe8: {  	[hbm4b:s17+s2] =	stream.linear.scatter [tilespmem:s6], [sflag:$0x7], $0x2800, $0x38;
	[tilespmem:$0xAC00] =	vst v63  }
0xe9: {  	_ =	swait.ge [sflag:s7], $0x2800  }
0xea: {  	[sflag:s7] =	ssyncset.done $0x0  }
0xeb: {  	s17 =	rddreg [dreg:$0x1c];
	[sflag:s7] =	ssyncadd.s32 $0xFFFFD800  }
0xec: {  	[tilespmem:s10], [sflag:$0x2] =	stream.indirect.gather [hbm4b:s3+s11], $0x80, s17, s11, $0xb8;
	[tilespmem:$0xAC00] =	vst v63  }
0xed: {  	_ =	swait.ge [sflag:s14], $0x2800  }
0xee: {  	[sflag:s14] =	ssyncset.done $0x0  }
0xef: {  	s17 =	rddreg [dreg:$0x7];
	[sflag:s14] =	ssyncadd.s32 $0xFFFFD800  }
0xf0: {  	[hbm4b:s17+s2] =	stream.linear.scatter [tilespmem:s5], [sflag:$0x8], $0x2800, $0x38;
	[tilespmem:$0xAC00] =	vst v63  }
0xf1: {  	_ =	swait.ge [sflag:s9], $0x2800  }
0xf2: {  	[sflag:s9] =	ssyncset.done $0x0  }
0xf3: {  	s17 =	rddreg [dreg:$0x1d];
	[sflag:s9] =	ssyncadd.s32 $0xFFFFD800  }
0xf4: {  	[tilespmem:s6], [sflag:$0x3] =	stream.indirect.gather [hbm4b:s3+s11], $0x80, s17, s11, $0xb8;
	[tilespmem:$0xAC00] =	vst v63  }
0xf5: {  	_ =	swait.ge [sflag:s16], $0x2800  }
0xf6: {  	[sflag:s16] =	ssyncset.done $0x0  }
0xf7: {  	s17 =	rddreg [dreg:$0x8];
	[sflag:s16] =	ssyncadd.s32 $0xFFFFD800  }
0xf8: {  	[hbm4b:s17+s2] =	stream.linear.scatter [tilespmem:s12], [sflag:$0x5], $0x2800, $0x38;
	[tilespmem:$0xAC00] =	vst v63  }
0xf9: {  	_ =	swait.ge [sflag:s8], $0x2800  }
0xfa: {  	[sflag:s8] =	ssyncset.done $0x0  }
0xfb: {  	s17 =	simm.s32 $0x380;
	[sflag:s8] =	ssyncadd.s32 $0xFFFFD800  }
0xfc: {  	[tilespmem:s5], [sflag:$0x4] =	stream.indirect.gather [hbm4b:s3+s11], $0x80, s17, s11, $0xb8;
	[tilespmem:$0xAC00] =	vst v63  }
0xfd: {  	_ =	swait.ge [sflag:s15], $0x2800  }
0xfe: {  	[sflag:s15] =	ssyncset.done $0x0  }
0xff: {  	s17 =	rddreg [dreg:$0x9];
	[sflag:s15] =	ssyncadd.s32 $0xFFFFD800  }
0x100: {  	[hbm4b:s17+s2] =	stream.linear.scatter [tilespmem:s10], [sflag:$0x6], $0x2800, $0x38;
	[tilespmem:$0xAC00] =	vst v63  }
0x101: {  	_ =	swait.ge [sflag:s4], $0x2800  }
0x102: {  	[sflag:s4] =	ssyncset.done $0x0  }
0x103: {  	[sflag:s4] =	ssyncadd.s32 $0xFFFFD800  }
0x104: {  	[tilespmem:s12], [sflag:$0x1] =	stream.indirect.gather [hbm4b:s3+s11], $0x80, s30, s11, $0xb8;
	[tilespmem:$0xAC00] =	vst v63  }
0x105: {  	_ =	swait.ge [sflag:s13], $0x2800  }
0x106: {  	[sflag:s13] =	ssyncset.done $0x0  }
0x107: {  	s17 =	rddreg [dreg:$0xa];
	[sflag:s13] =	ssyncadd.s32 $0xFFFFD800  }
0x108: {  	[hbm4b:s17+s2] =	stream.linear.scatter [tilespmem:s6], [sflag:$0x7], $0x2800, $0x38;
	[tilespmem:$0xAC00] =	vst v63  }
0x109: {  	_ =	swait.ge [sflag:s7], $0x2800  }
0x10a: {  	[sflag:s7] =	ssyncset.done $0x0  }
0x10b: {  	[sflag:s7] =	ssyncadd.s32 $0xFFFFD800  }
0x10c: {  	[tilespmem:s10], [sflag:$0x2] =	stream.indirect.gather [hbm4b:s3+s11], $0x80, s29, s11, $0xb8;
	[tilespmem:$0xAC00] =	vst v63  }
0x10d: {  	_ =	swait.ge [sflag:s14], $0x2800  }
0x10e: {  	[sflag:s14] =	ssyncset.done $0x0  }
0x10f: {  	s17 =	rddreg [dreg:$0xb];
	[sflag:s14] =	ssyncadd.s32 $0xFFFFD800  }
0x110: {  	[hbm4b:s17+s2] =	stream.linear.scatter [tilespmem:s5], [sflag:$0x8], $0x2800, $0x38;
	[tilespmem:$0xAC00] =	vst v63  }
0x111: {  	_ =	swait.ge [sflag:s9], $0x2800  }
0x112: {  	[sflag:s9] =	ssyncset.done $0x0  }
0x113: {  	[sflag:s9] =	ssyncadd.s32 $0xFFFFD800  }
0x114: {  	[tilespmem:s6], [sflag:$0x3] =	stream.indirect.gather [hbm4b:s3+s11], $0x80, s28, s11, $0xb8;
	[tilespmem:$0xAC00] =	vst v63  }
0x115: {  	_ =	swait.ge [sflag:s16], $0x2800  }
0x116: {  	[sflag:s16] =	ssyncset.done $0x0  }
0x117: {  	s17 =	rddreg [dreg:$0xc];
	[sflag:s16] =	ssyncadd.s32 $0xFFFFD800  }
0x118: {  	[hbm4b:s17+s2] =	stream.linear.scatter [tilespmem:s12], [sflag:$0x5], $0x2800, $0x38;
	[tilespmem:$0xAC00] =	vst v63  }
0x119: {  	_ =	swait.ge [sflag:s8], $0x2800  }
0x11a: {  	[sflag:s8] =	ssyncset.done $0x0  }
0x11b: {  	[sflag:s8] =	ssyncadd.s32 $0xFFFFD800  }
0x11c: {  	[tilespmem:s5], [sflag:$0x4] =	stream.indirect.gather [hbm4b:s3+s11], $0x80, s26, s11, $0xb8;
	[tilespmem:$0xAC00] =	vst v63  }
0x11d: {  	_ =	swait.ge [sflag:s15], $0x2800  }
0x11e: {  	[sflag:s15] =	ssyncset.done $0x0  }
0x11f: {  	s17 =	rddreg [dreg:$0xd];
	[sflag:s15] =	ssyncadd.s32 $0xFFFFD800  }
0x120: {  	[hbm4b:s17+s2] =	stream.linear.scatter [tilespmem:s10], [sflag:$0x6], $0x2800, $0x38;
	[tilespmem:$0xAC00] =	vst v63  }
0x121: {  	_ =	swait.ge [sflag:s4], $0x2800  }
0x122: {  	[sflag:s4] =	ssyncset.done $0x0  }
0x123: {  	[sflag:s4] =	ssyncadd.s32 $0xFFFFD800  }
0x124: {  	[tilespmem:s12], [sflag:$0x1] =	stream.indirect.gather [hbm4b:s3+s11], $0x80, s25, s11, $0xb8;
	[tilespmem:$0xAC00] =	vst v63  }
0x125: {  	_ =	swait.ge [sflag:s13], $0x2800  }
0x126: {  	[sflag:s13] =	ssyncset.done $0x0  }
0x127: {  	s17 =	rddreg [dreg:$0xe];
	[sflag:s13] =	ssyncadd.s32 $0xFFFFD800  }
0x128: {  	[hbm4b:s17+s2] =	stream.linear.scatter [tilespmem:s6], [sflag:$0x7], $0x2800, $0x38;
	[tilespmem:$0xAC00] =	vst v63  }
0x129: {  	_ =	swait.ge [sflag:s7], $0x2800  }
0x12a: {  	[sflag:s7] =	ssyncset.done $0x0  }
0x12b: {  	[sflag:s7] =	ssyncadd.s32 $0xFFFFD800  }
0x12c: {  	[tilespmem:s10], [sflag:$0x2] =	stream.indirect.gather [hbm4b:s3+s11], $0x80, s24, s11, $0xb8;
	[tilespmem:$0xAC00] =	vst v63  }
0x12d: {  	_ =	swait.ge [sflag:s14], $0x2800  }
0x12e: {  	[sflag:s14] =	ssyncset.done $0x0  }
0x12f: {  	s17 =	rddreg [dreg:$0xf];
	[sflag:s14] =	ssyncadd.s32 $0xFFFFD800  }
0x130: {  	[hbm4b:s17+s2] =	stream.linear.scatter [tilespmem:s5], [sflag:$0x8], $0x2800, $0x38;
	[tilespmem:$0xAC00] =	vst v63  }
0x131: {  	_ =	swait.ge [sflag:s9], $0x2800  }
0x132: {  	[sflag:s9] =	ssyncset.done $0x0  }
0x133: {  	[sflag:s9] =	ssyncadd.s32 $0xFFFFD800  }
0x134: {  	[tilespmem:s6], [sflag:$0x3] =	stream.indirect.gather [hbm4b:s3+s11], $0x80, s23, s11, $0xb8;
	[tilespmem:$0xAC00] =	vst v63  }
0x135: {  	_ =	swait.ge [sflag:s16], $0x2800  }
0x136: {  	[sflag:s16] =	ssyncset.done $0x0  }
0x137: {  	s17 =	rddreg [dreg:$0x10];
	[sflag:s16] =	ssyncadd.s32 $0xFFFFD800  }
0x138: {  	[hbm4b:s17+s2] =	stream.linear.scatter [tilespmem:s12], [sflag:$0x5], $0x2800, $0x38;
	[tilespmem:$0xAC00] =	vst v63  }
0x139: {  	_ =	swait.ge [sflag:s8], $0x2800  }
0x13a: {  	[sflag:s8] =	ssyncset.done $0x0  }
0x13b: {  	[sflag:s8] =	ssyncadd.s32 $0xFFFFD800  }
0x13c: {  	[tilespmem:s5], [sflag:$0x4] =	stream.indirect.gather [hbm4b:s3+s11], $0x80, s22, s11, $0xb8;
	[tilespmem:$0xAC00] =	vst v63  }
0x13d: {  	_ =	swait.ge [sflag:s15], $0x2800  }
0x13e: {  	[sflag:s15] =	ssyncset.done $0x0  }
0x13f: {  	s17 =	rddreg [dreg:$0x11];
	[sflag:s15] =	ssyncadd.s32 $0xFFFFD800  }
0x140: {  	[hbm4b:s17+s2] =	stream.linear.scatter [tilespmem:s10], [sflag:$0x6], $0x2800, $0x38;
	[tilespmem:$0xAC00] =	vst v63  }
0x141: {  	_ =	swait.ge [sflag:s4], $0x2800  }
0x142: {  	[sflag:s4] =	ssyncset.done $0x0  }
0x143: {  	[sflag:s4] =	ssyncadd.s32 $0xFFFFD800  }
0x144: {  	[tilespmem:s12], [sflag:$0x1] =	stream.indirect.gather [hbm4b:s3+s11], $0x80, s21, s11, $0xb8;
	[tilespmem:$0xAC00] =	vst v63  }
0x145: {  	_ =	swait.ge [sflag:s13], $0x2800  }
0x146: {  	[sflag:s13] =	ssyncset.done $0x0  }
0x147: {  	s17 =	rddreg [dreg:$0x12];
	[sflag:s13] =	ssyncadd.s32 $0xFFFFD800  }
0x148: {  	[hbm4b:s17+s2] =	stream.linear.scatter [tilespmem:s6], [sflag:$0x7], $0x2800, $0x38;
	[tilespmem:$0xAC00] =	vst v63  }
0x149: {  	_ =	swait.ge [sflag:s7], $0x2800  }
0x14a: {  	[sflag:s7] =	ssyncset.done $0x0  }
0x14b: {  	[sflag:s7] =	ssyncadd.s32 $0xFFFFD800  }
0x14c: {  	[tilespmem:s10], [sflag:$0x2] =	stream.indirect.gather [hbm4b:s3+s11], $0x80, s20, s11, $0xb8;
	[tilespmem:$0xAC00] =	vst v63  }
0x14d: {  	_ =	swait.ge [sflag:s14], $0x2800  }
0x14e: {  	[sflag:s14] =	ssyncset.done $0x0  }
0x14f: {  	s17 =	rddreg [dreg:$0x13];
	[sflag:s14] =	ssyncadd.s32 $0xFFFFD800  }
0x150: {  	[hbm4b:s17+s2] =	stream.linear.scatter [tilespmem:s5], [sflag:$0x8], $0x2800, $0x38;
	[tilespmem:$0xAC00] =	vst v63  }
0x151: {  	_ =	swait.ge [sflag:s9], $0x2800  }
0x152: {  	[sflag:s9] =	ssyncset.done $0x0  }
0x153: {  	[sflag:s9] =	ssyncadd.s32 $0xFFFFD800  }
0x154: {  	[tilespmem:s6], [sflag:$0x3] =	stream.indirect.gather [hbm4b:s3+s11], $0x80, s19, s11, $0xb8;
	[tilespmem:$0xAC00] =	vst v63  }
0x155: {  	_ =	swait.ge [sflag:s16], $0x2800  }
0x156: {  	[sflag:s16] =	ssyncset.done $0x0  }
0x157: {  	s17 =	rddreg [dreg:$0x14];
	[sflag:s16] =	ssyncadd.s32 $0xFFFFD800  }
0x158: {  	[hbm4b:s17+s2] =	stream.linear.scatter [tilespmem:s12], [sflag:$0x5], $0x2800, $0x38;
	[tilespmem:$0xAC00] =	vst v63  }
0x159: {  	_ =	swait.ge [sflag:s8], $0x2800  }
0x15a: {  	[sflag:s8] =	ssyncset.done $0x0  }
0x15b: {  	[sflag:s8] =	ssyncadd.s32 $0xFFFFD800  }
0x15c: {  	[tilespmem:s5], [sflag:$0x4] =	stream.indirect.gather [hbm4b:s3+s11], $0x80, s18, s11, $0xb8;
	[tilespmem:$0xAC00] =	vst v63  }
0x15d: {  	_ =	swait.ge [sflag:s15], $0x2800  }
0x15e: {  	[sflag:s15] =	ssyncset.done $0x0  }
0x15f: {  	s17 =	rddreg [dreg:$0x15];
	[sflag:s15] =	ssyncadd.s32 $0xFFFFD800  }
0x160: {  	[hbm4b:s17+s2] =	stream.linear.scatter [tilespmem:s10], [sflag:$0x6], $0x2800, $0x38;
	[tilespmem:$0xAC00] =	vst v63  }
0x161: {  	_ =	swait.ge [sflag:s13], $0x2800  }
0x162: {  	[sflag:s13] =	ssyncset.done $0x0  }
0x163: {  	s17 =	rddreg [dreg:$0x16];
	[sflag:s13] =	ssyncadd.s32 $0xFFFFD800  }
0x164: {  	[hbm4b:s17+s2] =	stream.linear.scatter [tilespmem:s6], [sflag:$0x7], $0x2800, $0x38;
	[tilespmem:$0xAC00] =	vst v63  }
0x165: {  	_ =	swait.ge [sflag:s14], $0x2800  }
0x166: {  	[sflag:s14] =	ssyncset.done $0x0  }
0x167: {  	s17 =	rddreg [dreg:$0x17];
	[sflag:s14] =	ssyncadd.s32 $0xFFFFD800  }
0x168: {  	[hbm4b:s17+s2] =	stream.linear.scatter [tilespmem:s5], [sflag:$0x8], $0x2800, $0x38;
	[tilespmem:$0xAC00] =	vst v63  }
0x169: {  	_ =	swait.ge [sflag:s4], $0x2800  }
0x16a: {  	[sflag:s4] =	ssyncset.done $0x0  }
0x16b: {  	[sflag:s4] =	ssyncadd.s32 $0xFFFFD800  }
0x16c: {  	_ =	swait.ge [sflag:s7], $0x2800  }
0x16d: {  	[sflag:s7] =	ssyncset.done $0x0  }
0x16e: {  	p1 =	sne.s32 s1, $0x1;
	[sflag:s7] =	ssyncadd.s32 $0xFFFFD800  }
.Ltmp2:
0x16f: {  	_ =	swait.ge [sflag:s9], $0x2800;
	(pc) =	sbr.rel @p1 .LBB2_4-.Ltmp2, $4  }
0x170: {  	[sflag:s9] =	ssyncset.done $0x0  }
0x171: {  	[sflag:s9] =	ssyncadd.s32 $0xFFFFD800  }
0x172: {  	_ =	swait.ge [sflag:s8], $0x2800  }
0x173: {  	s1 =	sadd.s32 $0xFFFFFFFF, s1;
	s0 =	rddreg [dreg:$0x3];
	[sflag:s8] =	ssyncset.done $0x0  }
0x174: {  	s18 =	simm.s32 $0x380  }
0x175: {  	s30 =	simm.s32 $0x400;
	s29 =	simm.s32 $0x480;
	s28 =	simm.s32 $0x500  }
0x176: {  	s26 =	simm.s32 $0x580;
	s25 =	simm.s32 $0x600;
	s24 =	simm.s32 $0x680  }
0x177: {  	s23 =	simm.s32 $0x700;
	s22 =	simm.s32 $0x780;
	s21 =	simm.s32 $0x800  }
0x178: {  	s20 =	simm.s32 $0x880;
	s19 =	simm.s32 $0x900;
	s17 =	stileid.u32  }
.LBB2_6:
0x179: {  	[sflag:s8] =	ssyncadd.s32 @p0 $0xFFFFD800  }
0x17a: {  	[tilespmem:s2], [sflag:$0x9] =	stream.linear.gather [hbm4b:s0+s2], $0xA00, $0x38;
	[tilespmem:$0xAC00] =	vst v63  }
0x17b: {  	_ =	swait.ge [sflag:s31], $0xA00  }
0x17c: {  	[sflag:s31] =	ssyncset.done $0x0  }
0x17d: {  	[sflag:s31] =	ssyncadd.s32 $0xFFFFF600  }
0x17e: {  	[tilespmem:s12], [sflag:$0x1] =	stream.indirect.gather [hbm4b:s3+s11], $0x80, s2, s11, $0xb8;
	[tilespmem:$0xAC00] =	vst v63  }
0x17f: {  	s31 =	rddreg [dreg:$0x18]  }
0x180: {  	[tilespmem:s10], [sflag:$0x2] =	stream.indirect.gather [hbm4b:s3+s11], $0x80, s31, s11, $0xb8;
	[tilespmem:$0xAC00] =	vst v63  }
0x181: {  	s1 =	rddreg [dreg:$0x19]  }
0x182: {  	[tilespmem:s6], [sflag:$0x3] =	stream.indirect.gather [hbm4b:s3+s11], $0x80, s1, s11, $0xb8;
	[tilespmem:$0xAC00] =	vst v63  }
0x183: {  	_ =	swait.ge [sflag:s16], $0x2800  }
0x184: {  	[sflag:s16] =	ssyncset.done $0x0  }
0x185: {  	s1 =	rddreg [dreg:$0x4];
	[sflag:s16] =	ssyncadd.s32 $0xFFFFD800  }
0x186: {  	[hbm4b:s1+s2] =	stream.linear.scatter [tilespmem:s12], [sflag:$0x5], $0x2800, $0x38;
	[tilespmem:$0xAC00] =	vst v63  }
0x187: {  	s31 =	rddreg [dreg:$0x1a]  }
0x188: {  	[tilespmem:s5], [sflag:$0x4] =	stream.indirect.gather [hbm4b:s3+s11], $0x80, s31, s11, $0xb8;
	[tilespmem:$0xAC00] =	vst v63  }
0x189: {  	_ =	swait.ge [sflag:s15], $0x2800  }
0x18a: {  	[sflag:s15] =	ssyncset.done $0x0  }
0x18b: {  	s1 =	rddreg [dreg:$0x5];
	[sflag:s15] =	ssyncadd.s32 $0xFFFFD800  }
0x18c: {  	[hbm4b:s1+s2] =	stream.linear.scatter [tilespmem:s10], [sflag:$0x6], $0x2800, $0x38;
	[tilespmem:$0xAC00] =	vst v63  }
0x18d: {  	_ =	swait.ge [sflag:s4], $0x2800  }
0x18e: {  	[sflag:s4] =	ssyncset.done $0x0  }
0x18f: {  	s31 =	rddreg [dreg:$0x1b];
	[sflag:s4] =	ssyncadd.s32 $0xFFFFD800  }
0x190: {  	[tilespmem:s12], [sflag:$0x1] =	stream.indirect.gather [hbm4b:s3+s11], $0x80, s31, s11, $0xb8;
	[tilespmem:$0xAC00] =	vst v63  }
0x191: {  	_ =	swait.ge [sflag:s13], $0x2800  }
0x192: {  	[sflag:s13] =	ssyncset.done $0x0  }
0x193: {  	s1 =	rddreg [dreg:$0x6];
	[sflag:s13] =	ssyncadd.s32 $0xFFFFD800  }
0x194: {  	[hbm4b:s1+s2] =	stream.linear.scatter [tilespmem:s6], [sflag:$0x7], $0x2800, $0x38;
	[tilespmem:$0xAC00] =	vst v63  }
0x195: {  	_ =	swait.ge [sflag:s7], $0x2800  }
0x196: {  	[sflag:s7] =	ssyncset.done $0x0  }
0x197: {  	s31 =	rddreg [dreg:$0x1c];
	[sflag:s7] =	ssyncadd.s32 $0xFFFFD800  }
0x198: {  	[tilespmem:s10], [sflag:$0x2] =	stream.indirect.gather [hbm4b:s3+s11], $0x80, s31, s11, $0xb8;
	[tilespmem:$0xAC00] =	vst v63  }
0x199: {  	_ =	swait.ge [sflag:s14], $0x2800  }
0x19a: {  	[sflag:s14] =	ssyncset.done $0x0  }
0x19b: {  	s1 =	rddreg [dreg:$0x7];
	[sflag:s14] =	ssyncadd.s32 $0xFFFFD800  }
0x19c: {  	[hbm4b:s1+s2] =	stream.linear.scatter [tilespmem:s5], [sflag:$0x8], $0x2800, $0x38;
	[tilespmem:$0xAC00] =	vst v63  }
0x19d: {  	_ =	swait.ge [sflag:s9], $0x2800  }
0x19e: {  	[sflag:s9] =	ssyncset.done $0x0  }
0x19f: {  	s31 =	rddreg [dreg:$0x1d];
	[sflag:s9] =	ssyncadd.s32 $0xFFFFD800  }
0x1a0: {  	[tilespmem:s6], [sflag:$0x3] =	stream.indirect.gather [hbm4b:s3+s11], $0x80, s31, s11, $0xb8;
	[tilespmem:$0xAC00] =	vst v63  }
0x1a1: {  	_ =	swait.ge [sflag:s16], $0x2800  }
0x1a2: {  	[sflag:s16] =	ssyncset.done $0x0  }
0x1a3: {  	s1 =	rddreg [dreg:$0x8];
	[sflag:s16] =	ssyncadd.s32 $0xFFFFD800  }
0x1a4: {  	[hbm4b:s1+s2] =	stream.linear.scatter [tilespmem:s12], [sflag:$0x5], $0x2800, $0x38;
	[tilespmem:$0xAC00] =	vst v63  }
0x1a5: {  	_ =	swait.ge [sflag:s8], $0x2800  }
0x1a6: {  	[sflag:s8] =	ssyncset.done $0x0  }
0x1a7: {  	[sflag:s8] =	ssyncadd.s32 $0xFFFFD800  }
0x1a8: {  	[tilespmem:s5], [sflag:$0x4] =	stream.indirect.gather [hbm4b:s3+s11], $0x80, s18, s11, $0xb8;
	[tilespmem:$0xAC00] =	vst v63  }
0x1a9: {  	_ =	swait.ge [sflag:s15], $0x2800  }
0x1aa: {  	[sflag:s15] =	ssyncset.done $0x0  }
0x1ab: {  	s31 =	rddreg [dreg:$0x9];
	[sflag:s15] =	ssyncadd.s32 $0xFFFFD800  }
0x1ac: {  	[hbm4b:s31+s2] =	stream.linear.scatter [tilespmem:s10], [sflag:$0x6], $0x2800, $0x38;
	[tilespmem:$0xAC00] =	vst v63  }
0x1ad: {  	_ =	swait.ge [sflag:s4], $0x2800  }
0x1ae: {  	[sflag:s4] =	ssyncset.done $0x0  }
0x1af: {  	[sflag:s4] =	ssyncadd.s32 $0xFFFFD800  }
0x1b0: {  	[tilespmem:s12], [sflag:$0x1] =	stream.indirect.gather [hbm4b:s3+s11], $0x80, s30, s11, $0xb8;
	[tilespmem:$0xAC00] =	vst v63  }
0x1b1: {  	_ =	swait.ge [sflag:s13], $0x2800  }
0x1b2: {  	[sflag:s13] =	ssyncset.done $0x0  }
0x1b3: {  	s1 =	rddreg [dreg:$0xa];
	[sflag:s13] =	ssyncadd.s32 $0xFFFFD800  }
0x1b4: {  	[hbm4b:s1+s2] =	stream.linear.scatter [tilespmem:s6], [sflag:$0x7], $0x2800, $0x38;
	[tilespmem:$0xAC00] =	vst v63  }
0x1b5: {  	_ =	swait.ge [sflag:s7], $0x2800  }
0x1b6: {  	[sflag:s7] =	ssyncset.done $0x0  }
0x1b7: {  	[sflag:s7] =	ssyncadd.s32 $0xFFFFD800  }
0x1b8: {  	[tilespmem:s10], [sflag:$0x2] =	stream.indirect.gather [hbm4b:s3+s11], $0x80, s29, s11, $0xb8;
	[tilespmem:$0xAC00] =	vst v63  }
0x1b9: {  	_ =	swait.ge [sflag:s14], $0x2800  }
0x1ba: {  	[sflag:s14] =	ssyncset.done $0x0  }
0x1bb: {  	s18 =	rddreg [dreg:$0xb];
	[sflag:s14] =	ssyncadd.s32 $0xFFFFD800  }
0x1bc: {  	[hbm4b:s18+s2] =	stream.linear.scatter [tilespmem:s5], [sflag:$0x8], $0x2800, $0x38;
	[tilespmem:$0xAC00] =	vst v63  }
0x1bd: {  	_ =	swait.ge [sflag:s9], $0x2800  }
0x1be: {  	[sflag:s9] =	ssyncset.done $0x0  }
0x1bf: {  	[sflag:s9] =	ssyncadd.s32 $0xFFFFD800  }
0x1c0: {  	[tilespmem:s6], [sflag:$0x3] =	stream.indirect.gather [hbm4b:s3+s11], $0x80, s28, s11, $0xb8;
	[tilespmem:$0xAC00] =	vst v63  }
0x1c1: {  	_ =	swait.ge [sflag:s16], $0x2800  }
0x1c2: {  	[sflag:s16] =	ssyncset.done $0x0  }
0x1c3: {  	s29 =	rddreg [dreg:$0xc];
	[sflag:s16] =	ssyncadd.s32 $0xFFFFD800  }
0x1c4: {  	[hbm4b:s29+s2] =	stream.linear.scatter [tilespmem:s12], [sflag:$0x5], $0x2800, $0x38;
	[tilespmem:$0xAC00] =	vst v63  }
0x1c5: {  	_ =	swait.ge [sflag:s8], $0x2800  }
0x1c6: {  	[sflag:s8] =	ssyncset.done $0x0  }
0x1c7: {  	[sflag:s8] =	ssyncadd.s32 $0xFFFFD800  }
0x1c8: {  	[tilespmem:s5], [sflag:$0x4] =	stream.indirect.gather [hbm4b:s3+s11], $0x80, s26, s11, $0xb8;
	[tilespmem:$0xAC00] =	vst v63  }
0x1c9: {  	_ =	swait.ge [sflag:s15], $0x2800  }
0x1ca: {  	[sflag:s15] =	ssyncset.done $0x0  }
0x1cb: {  	s30 =	rddreg [dreg:$0xd];
	[sflag:s15] =	ssyncadd.s32 $0xFFFFD800  }
0x1cc: {  	[hbm4b:s30+s2] =	stream.linear.scatter [tilespmem:s10], [sflag:$0x6], $0x2800, $0x38;
	[tilespmem:$0xAC00] =	vst v63  }
0x1cd: {  	_ =	swait.ge [sflag:s4], $0x2800  }
0x1ce: {  	[sflag:s4] =	ssyncset.done $0x0  }
0x1cf: {  	[sflag:s4] =	ssyncadd.s32 $0xFFFFD800  }
0x1d0: {  	[tilespmem:s12], [sflag:$0x1] =	stream.indirect.gather [hbm4b:s3+s11], $0x80, s25, s11, $0xb8;
	[tilespmem:$0xAC00] =	vst v63  }
0x1d1: {  	_ =	swait.ge [sflag:s13], $0x2800  }
0x1d2: {  	[sflag:s13] =	ssyncset.done $0x0  }
0x1d3: {  	s31 =	rddreg [dreg:$0xe];
	[sflag:s13] =	ssyncadd.s32 $0xFFFFD800  }
0x1d4: {  	[hbm4b:s31+s2] =	stream.linear.scatter [tilespmem:s6], [sflag:$0x7], $0x2800, $0x38;
	[tilespmem:$0xAC00] =	vst v63  }
0x1d5: {  	_ =	swait.ge [sflag:s7], $0x2800  }
0x1d6: {  	[sflag:s7] =	ssyncset.done $0x0  }
0x1d7: {  	[sflag:s7] =	ssyncadd.s32 $0xFFFFD800  }
0x1d8: {  	[tilespmem:s10], [sflag:$0x2] =	stream.indirect.gather [hbm4b:s3+s11], $0x80, s24, s11, $0xb8;
	[tilespmem:$0xAC00] =	vst v63  }
0x1d9: {  	_ =	swait.ge [sflag:s14], $0x2800  }
0x1da: {  	[sflag:s14] =	ssyncset.done $0x0  }
0x1db: {  	s1 =	rddreg [dreg:$0xf];
	[sflag:s14] =	ssyncadd.s32 $0xFFFFD800  }
0x1dc: {  	[hbm4b:s1+s2] =	stream.linear.scatter [tilespmem:s5], [sflag:$0x8], $0x2800, $0x38;
	[tilespmem:$0xAC00] =	vst v63  }
0x1dd: {  	_ =	swait.ge [sflag:s9], $0x2800  }
0x1de: {  	[sflag:s9] =	ssyncset.done $0x0  }
0x1df: {  	[sflag:s9] =	ssyncadd.s32 $0xFFFFD800  }
0x1e0: {  	[tilespmem:s6], [sflag:$0x3] =	stream.indirect.gather [hbm4b:s3+s11], $0x80, s23, s11, $0xb8;
	[tilespmem:$0xAC00] =	vst v63  }
0x1e1: {  	_ =	swait.ge [sflag:s16], $0x2800  }
0x1e2: {  	[sflag:s16] =	ssyncset.done $0x0  }
0x1e3: {  	s18 =	rddreg [dreg:$0x10];
	[sflag:s16] =	ssyncadd.s32 $0xFFFFD800  }
0x1e4: {  	[hbm4b:s18+s2] =	stream.linear.scatter [tilespmem:s12], [sflag:$0x5], $0x2800, $0x38;
	[tilespmem:$0xAC00] =	vst v63  }
0x1e5: {  	_ =	swait.ge [sflag:s8], $0x2800  }
0x1e6: {  	[sflag:s8] =	ssyncset.done $0x0  }
0x1e7: {  	[sflag:s8] =	ssyncadd.s32 $0xFFFFD800  }
0x1e8: {  	[tilespmem:s5], [sflag:$0x4] =	stream.indirect.gather [hbm4b:s3+s11], $0x80, s22, s11, $0xb8;
	[tilespmem:$0xAC00] =	vst v63  }
0x1e9: {  	_ =	swait.ge [sflag:s15], $0x2800  }
0x1ea: {  	[sflag:s15] =	ssyncset.done $0x0  }
0x1eb: {  	s23 =	rddreg [dreg:$0x11];
	[sflag:s15] =	ssyncadd.s32 $0xFFFFD800  }
0x1ec: {  	[hbm4b:s23+s2] =	stream.linear.scatter [tilespmem:s10], [sflag:$0x6], $0x2800, $0x38;
	[tilespmem:$0xAC00] =	vst v63  }
0x1ed: {  	_ =	swait.ge [sflag:s4], $0x2800  }
0x1ee: {  	[sflag:s4] =	ssyncset.done $0x0  }
0x1ef: {  	[sflag:s4] =	ssyncadd.s32 $0xFFFFD800  }
0x1f0: {  	[tilespmem:s12], [sflag:$0x1] =	stream.indirect.gather [hbm4b:s3+s11], $0x80, s21, s11, $0xb8;
	[tilespmem:$0xAC00] =	vst v63  }
0x1f1: {  	_ =	swait.ge [sflag:s13], $0x2800  }
0x1f2: {  	[sflag:s13] =	ssyncset.done $0x0  }
0x1f3: {  	s24 =	rddreg [dreg:$0x12];
	[sflag:s13] =	ssyncadd.s32 $0xFFFFD800  }
0x1f4: {  	[hbm4b:s24+s2] =	stream.linear.scatter [tilespmem:s6], [sflag:$0x7], $0x2800, $0x38;
	[tilespmem:$0xAC00] =	vst v63  }
0x1f5: {  	_ =	swait.ge [sflag:s7], $0x2800  }
0x1f6: {  	[sflag:s7] =	ssyncset.done $0x0  }
0x1f7: {  	[sflag:s7] =	ssyncadd.s32 $0xFFFFD800  }
0x1f8: {  	[tilespmem:s10], [sflag:$0x2] =	stream.indirect.gather [hbm4b:s3+s11], $0x80, s20, s11, $0xb8;
	[tilespmem:$0xAC00] =	vst v63  }
0x1f9: {  	_ =	swait.ge [sflag:s14], $0x2800  }
0x1fa: {  	[sflag:s14] =	ssyncset.done $0x0  }
0x1fb: {  	s25 =	rddreg [dreg:$0x13];
	[sflag:s14] =	ssyncadd.s32 $0xFFFFD800  }
0x1fc: {  	[hbm4b:s25+s2] =	stream.linear.scatter [tilespmem:s5], [sflag:$0x8], $0x2800, $0x38;
	[tilespmem:$0xAC00] =	vst v63  }
0x1fd: {  	_ =	swait.ge [sflag:s9], $0x2800  }
0x1fe: {  	[sflag:s9] =	ssyncset.done $0x0  }
0x1ff: {  	[sflag:s9] =	ssyncadd.s32 $0xFFFFD800  }
0x200: {  	[tilespmem:s6], [sflag:$0x3] =	stream.indirect.gather [hbm4b:s3+s11], $0x80, s19, s11, $0xb8;
	[tilespmem:$0xAC00] =	vst v63  }
0x201: {  	_ =	swait.ge [sflag:s16], $0x2800  }
0x202: {  	[sflag:s16] =	ssyncset.done $0x0  }
0x203: {  	s26 =	rddreg [dreg:$0x14];
	[sflag:s16] =	ssyncadd.s32 $0xFFFFD800  }
0x204: {  	[hbm4b:s26+s2] =	stream.linear.scatter [tilespmem:s12], [sflag:$0x5], $0x2800, $0x38;
	[tilespmem:$0xAC00] =	vst v63  }
0x205: {  	_ =	swait.ge [sflag:s8], $0x2800  }
0x206: {  	[sflag:s8] =	ssyncset.done $0x0  }
0x207: {  	s28 =	simm.s32 $0x980;
	[sflag:s8] =	ssyncadd.s32 $0xFFFFD800  }
0x208: {  	[tilespmem:s5], [sflag:$0x4] =	stream.indirect.gather [hbm4b:s3+s11], $0x80, s28, s11, $0xb8;
	[tilespmem:$0xAC00] =	vst v63  }
0x209: {  	_ =	swait.ge [sflag:s15], $0x2800  }
0x20a: {  	[sflag:s15] =	ssyncset.done $0x0  }
0x20b: {  	s29 =	rddreg [dreg:$0x15];
	[sflag:s15] =	ssyncadd.s32 $0xFFFFD800  }
0x20c: {  	[hbm4b:s29+s2] =	stream.linear.scatter [tilespmem:s10], [sflag:$0x6], $0x2800, $0x38;
	[tilespmem:$0xAC00] =	vst v63  }
0x20d: {  	_ =	swait.ge [sflag:s13], $0x2800  }
0x20e: {  	[sflag:s13] =	ssyncset.done $0x0  }
0x20f: {  	s30 =	rddreg [dreg:$0x16];
	[sflag:s13] =	ssyncadd.s32 $0xFFFFD800  }
0x210: {  	[hbm4b:s30+s2] =	stream.linear.scatter [tilespmem:s6], [sflag:$0x7], $0x2800, $0x38;
	[tilespmem:$0xAC00] =	vst v63  }
0x211: {  	_ =	swait.ge [sflag:s14], $0x2800  }
0x212: {  	[sflag:s14] =	ssyncset.done $0x0  }
0x213: {  	s31 =	rddreg [dreg:$0x17];
	[sflag:s14] =	ssyncadd.s32 $0xFFFFD800  }
0x214: {  	[hbm4b:s31+s2] =	stream.linear.scatter [tilespmem:s5], [sflag:$0x8], $0x2800, $0x38;
	[tilespmem:$0xAC00] =	vst v63  }
0x215: {  	_ =	swait.ge [sflag:s4], $0x2800  }
0x216: {  	[sflag:s4] =	ssyncset.done $0x0  }
0x217: {  	[sflag:s4] =	ssyncadd.s32 $0xFFFFD800  }
0x218: {  	_ =	swait.ge [sflag:s7], $0x2800  }
0x219: {  	[sflag:s7] =	ssyncset.done $0x0  }
0x21a: {  	[sflag:s7] =	ssyncadd.s32 $0xFFFFD800  }
0x21b: {  	_ =	swait.ge [sflag:s9], $0x2800  }
0x21c: {  	[sflag:s9] =	ssyncset.done $0x0  }
0x21d: {  	[sflag:s9] =	ssyncadd.s32 $0xFFFFD800  }
0x21e: {  	_ =	swait.ge [sflag:s8], $0x2800  }
0x21f: {  	[sflag:s8] =	ssyncset.done $0x0  }
0x220: {  	[sflag:s8] =	ssyncadd.s32 $0xFFFFD800  }
0x221: {  	_ =	sfence.sel $0x180000  }
0x222: {  	[bflag:$0x0] =	sbarrier.arrive $0xFFFF  }
0x223: {  	_ =	strace $0x90000047  }
0x224: {  	[bflag:$0x2] =	sbarrier.arrive $0xFFFF  }
0x225: {  	p0 =	sne.s32 s17, $0x0;
	s0 =	rddreg [dreg:$0x2]  }
0x226: {  	s0 =	sadd.s32 @!p0 $0x100000, s0  }
0x227: {  	[sflag:s0] =	ssyncadd.tile.s32 @!p0 $0x1;
	_ =	shalt  }
.LBB2_1:
.Ltmp3:
0x228: {  	(pc) =	sbr.rel .LBB2_6-.Ltmp3, $4  }
0x229: {  	s18 =	simm.s32 $0x380;
	s30 =	simm.s32 $0x400;
	s29 =	simm.s32 $0x480  }
0x22a: {  	s28 =	simm.s32 $0x500;
	s26 =	simm.s32 $0x580;
	s25 =	simm.s32 $0x600  }
0x22b: {  	s24 =	simm.s32 $0x680;
	s23 =	simm.s32 $0x700;
	s22 =	simm.s32 $0x780  }
0x22c: {  	s21 =	simm.s32 $0x800;
	s20 =	simm.s32 $0x880;
	s19 =	simm.s32 $0x900  }
.LBB2_3:
.Ltmp4:
0x22d: {  	s18 =	simm.s32 $0x380;
	(pc) =	sbr.rel .LBB2_6-.Ltmp4, $4  }
0x22e: {  	s30 =	simm.s32 $0x400;
	s29 =	simm.s32 $0x480;
	s28 =	simm.s32 $0x500  }
0x22f: {  	s26 =	simm.s32 $0x580;
	s25 =	simm.s32 $0x600;
	s24 =	simm.s32 $0x680  }
0x230: {  	s23 =	simm.s32 $0x700;
	s22 =	simm.s32 $0x780;
	s21 =	simm.s32 $0x800  }
0x231: {  	s20 =	simm.s32 $0x880;
	s19 =	simm.s32 $0x900;
	s17 =	stileid.u32  }
.Lfunc_end2:
_tile_overlayer_lowered:
.L_overlay_start_2:
0x232: {  	(tag) =	ssettag $0x2  }
0x233: {  	s0 =	rddreg [dreg:$0x0];
	s2 =	stileid.u32  }
0x234: {  	s1 =	rddreg [dreg:$0x1];
	p0 =	sne.s32 s2, $0x0  }
0x235: {  	s3 =	rddreg [dreg:$0x2];
	[bflag:$0x3] =	sbarrier.arrive $0xFFFF;
	s2 =	simm.s32 @!p0 $0x1C09  }
0x236: {  	[timem:s3], [sflag:s2] =	dma.local @!p0 [hbm:s0], s1  }
0x237: {  	s0 =	simm.s32 @!p0 $0x9  }
0x238: {  	_ =	swait.ge @!p0 [sflag:s0], s1  }
0x239: {  	s1 =	ssub.s32 @!p0 $0x0, s1;
	[sflag:s0] =	ssyncset.done @!p0 $0x0  }
0x23a: {  	[sflag:s0] =	ssyncadd.s32 @!p0 s1  }
0x23b: {  	[bflag:$0x3] =	sbarrier.arrive $0xFFFF  }
0x23c: {  	_ =	shalt  }

</sc_bundles>
